<compile_context>
chip_gen: v7x
topology: tpu7x:2x2x1
jax: 0.10.2.dev20260603
libtpu: 0.0.44.dev20260713+nightly
codegen_flags: <defaults>
</compile_context>

<pallas_src>
import functools

import jax
import jax.numpy as jnp
from jax import lax
from jax.experimental import pallas as pl
from jax.experimental.pallas import tpu as pltpu
from jax.experimental.pallas import tpu_sc as plsc

SEQ = 200
D = 64
DP = 128
BATCH = 4096
NW = 32
VOCAB = 1000000
SEQ_PER_W = BATCH // NW
SEQ_PER_CHUNK = 4
TOK_PER_CHUNK = SEQ_PER_CHUNK * SEQ
CHUNKS = SEQ_PER_W // SEQ_PER_CHUNK
TOK_PER_W = SEQ_PER_W * SEQ
GSUB = 128


def _sc_embed(ids_flat, emb_pad, pos):
    mesh = plsc.VectorSubcoreMesh(core_axis_name="c", subcore_axis_name="s")

    @functools.partial(
        pl.kernel,
        mesh=mesh,
        out_type=jax.ShapeDtypeStruct((BATCH, SEQ, DP), jnp.float32),
        scratch_types=[
            pltpu.VMEM((TOK_PER_CHUNK,), jnp.int32),
            pltpu.VMEM((TOK_PER_CHUNK,), jnp.int32),
            pltpu.VMEM((SEQ_PER_CHUNK, SEQ, D), jnp.float32),
            pltpu.VMEM((SEQ_PER_CHUNK, SEQ, D), jnp.float32),
            pltpu.VMEM((SEQ, D), jnp.float32),
            pltpu.SemaphoreType.DMA,
            pltpu.SemaphoreType.DMA,
            pltpu.SemaphoreType.DMA,
            pltpu.SemaphoreType.DMA,
        ],
        compiler_params=pltpu.CompilerParams(use_tc_tiling_on_sc=False),
    )
    def k(ids_hbm, emb_hbm, pos_hbm, out_hbm,
          idx_a, idx_b, rows_a, rows_b, pos_v,
          gsem_a, gsem_b, osem_a, osem_b):
        wid = lax.axis_index("s") * 2 + lax.axis_index("c")
        base = wid * TOK_PER_W

        pltpu.sync_copy(pos_hbm.at[pl.ds(0, SEQ)], pos_v)

        def out_slice(c):
            return out_hbm.at[pl.ds(wid * SEQ_PER_W + c * SEQ_PER_CHUNK,
                                    SEQ_PER_CHUNK), :, pl.ds(0, D)]

        def fire_gathers(c, idx_v, rows_v, gsem):
            tok0 = base + c * TOK_PER_CHUNK
            pltpu.sync_copy(ids_hbm.at[pl.ds(tok0, TOK_PER_CHUNK)], idx_v)
            for s in range(SEQ_PER_CHUNK):
                off = 0
                while off < SEQ:
                    n = min(GSUB, SEQ - off)
                    pltpu.async_copy(
                        emb_hbm.at[idx_v.at[pl.ds(s * SEQ + off, n)]],
                        rows_v.at[s].at[pl.ds(off, n)],
                        gsem,
                    )
                    off += n

        def drain_gathers(idx_v, rows_v, gsem):
            for s in range(SEQ_PER_CHUNK):
                off = 0
                while off < SEQ:
                    n = min(GSUB, SEQ - off)
                    pltpu.make_async_copy(
                        emb_hbm.at[idx_v.at[pl.ds(s * SEQ + off, n)]],
                        rows_v.at[s].at[pl.ds(off, n)],
                        gsem,
                    ).wait()
                    off += n

        def add_pos(rows_v):
            def pos_body(p, carry2):
                for j in range(D // 16):
                    pv = pos_v[p, pl.ds(16 * j, 16)]
                    for s in range(SEQ_PER_CHUNK):
                        plsc.addupdate(rows_v.at[s, p, pl.ds(16 * j, 16)], pv)
                return carry2

            lax.fori_loop(0, SEQ, pos_body, 0)

        def wait_wb(c, rows_v, osem):
            pltpu.make_async_copy(rows_v, out_slice(c), osem).wait()

        fire_gathers(0, idx_a, rows_a, gsem_a)

        def pair_body(i, carry):
            ca = 2 * i

            @pl.when(i > 0)
            def _():
                wait_wb(ca - 1, rows_b, osem_b)

            fire_gathers(ca + 1, idx_b, rows_b, gsem_b)
            drain_gathers(idx_a, rows_a, gsem_a)
            add_pos(rows_a)
            pltpu.async_copy(rows_a, out_slice(ca), osem_a)

            @pl.when(i + 1 < CHUNKS // 2)
            def _():
                wait_wb(ca, rows_a, osem_a)
                fire_gathers(ca + 2, idx_a, rows_a, gsem_a)

            drain_gathers(idx_b, rows_b, gsem_b)
            add_pos(rows_b)
            pltpu.async_copy(rows_b, out_slice(ca + 1), osem_b)
            return carry

        lax.fori_loop(0, CHUNKS // 2, pair_body, 0)
        wait_wb(CHUNKS - 2, rows_a, osem_a)
        wait_wb(CHUNKS - 1, rows_b, osem_b)

    return k(ids_flat, emb_pad, pos)


def kernel(input_ids, embedding, position_embedding):
    ids_flat = input_ids.reshape(-1).astype(jnp.int32)
    out = _sc_embed(ids_flat, embedding, position_embedding)
    return out[:, :, :D]

# --- scband reference (transcript-rebuilt; emitter-appended) ---
"""Pipeline reference for scband-text-embedding-79474074845426 (READ-ONLY COPY).

The authoritative reference and input builder live on the scoring server;
editing this copy changes nothing except your own understanding.
"""

import jax, jax.numpy as jnp
import numpy as np


def setup_inputs(seed: int = 0) -> dict:
    key = jax.random.key(seed)
    k1, k2, k3 = jax.random.split(key, 3)
    input_ids = jax.random.randint(k1, (4096, 200), 0, 1000000)
    embedding = jax.random.normal(k2, (1000000, 64), dtype=jnp.float32) * 0.02
    position_embedding = jax.random.normal(k3, (512, 64), dtype=jnp.float32) * 0.02
    return {"input_ids": input_ids, "embedding": embedding, "position_embedding": position_embedding}


def reference(input_ids, embedding, position_embedding):
    seq_length = input_ids.shape[-1]
    position_ids = jnp.arange(seq_length)
    inputs_embeds = jnp.take(embedding, input_ids, axis=0)
    position_embeddings = jnp.take(position_embedding, position_ids, axis=0)[None, :, :]
    embeddings = inputs_embeds + position_embeddings
    return embeddings

if __name__ == "__main__":
    import jax
    _d = setup_inputs()
    print(jax.jit(kernel)(*tuple(_d.values())))

</pallas_src>

<mosaic_0001>
#map = affine_map<(d0, d1) -> (0)>
#map1 = affine_map<(d0, d1) -> (0, 0)>
#map2 = affine_map<(d0, d1) -> (0, 0, 0)>
module attributes {stable_mosaic.version = 14 : i64} {
  func.func @k(%arg0: i32, %arg1: i32, %arg2: memref<819200xi32, #tpu.memory_space<hbm>>, %arg3: memref<1000000x64xf32, #tpu.memory_space<hbm>>, %arg4: memref<512x64xf32, #tpu.memory_space<hbm>>, %arg5: memref<4096x200x128xf32, #tpu.memory_space<hbm>>, %arg6: memref<800xi32, #tpu.memory_space<vmem>>, %arg7: memref<800xi32, #tpu.memory_space<vmem>>, %arg8: memref<4x200x64xf32, #tpu.memory_space<vmem>>, %arg9: memref<4x200x64xf32, #tpu.memory_space<vmem>>, %arg10: memref<200x64xf32, #tpu.memory_space<vmem>>, %arg11: memref<!tpu.dma_semaphore, #tpu.memory_space<semaphore_mem>>, %arg12: memref<!tpu.dma_semaphore, #tpu.memory_space<semaphore_mem>>, %arg13: memref<!tpu.dma_semaphore, #tpu.memory_space<semaphore_mem>>, %arg14: memref<!tpu.dma_semaphore, #tpu.memory_space<semaphore_mem>>) attributes {dimension_semantics = [#tpu.dimension_semantics<core_parallel>, #tpu.dimension_semantics<subcore_parallel>], iteration_bounds = array<i64: 2, 16>, scalar_prefetch = 0 : i64, scratch_operands = 9 : i64, tpu.core_type = #tpu.core_type<sc_vector_subcore>, window_params = [{transform_indices = #map}, {transform_indices = #map1}, {transform_indices = #map1}, {transform_indices = #map2}]} {
    %mul3A = arith.constant 2 : i32
    %mul3A_0 = arith.muli %arg1, %mul3A : i32
    %add3A = arith.addi %mul3A_0, %arg0 : i32
    %mul3A_1 = arith.constant 25600 : i32
    %mul3A_2 = arith.muli %add3A, %mul3A_1 : i32
    "tpu.region"() ({
      %run_scoped3A = tpu.sem_alloc : memref<!tpu.dma_semaphore, #tpu.memory_space<semaphore_mem>>
      %dma_start3A_132 = arith.constant 0 : i32
      %dma_start3A_133 = arith.constant 0 : i32
      %dma_start3A_134 = tpu.memref_slice %arg4[%dma_start3A_132, %dma_start3A_133] : memref<512x64xf32, #tpu.memory_space<hbm>> -> memref<200x64xf32, #tpu.memory_space<hbm>>
      %dma_start3A_135 = arith.constant 0 : i32
      %dma_start3A_136 = arith.constant 0 : i32
      %dma_start3A_137 = tpu.memref_slice %arg4[%dma_start3A_135, %dma_start3A_136] : memref<512x64xf32, #tpu.memory_space<hbm>> -> memref<200x64xf32, #tpu.memory_space<hbm>>
      tpu.enqueue_dma source(%dma_start3A_137 : memref<200x64xf32, #tpu.memory_space<hbm>>) target(%arg10 : memref<200x64xf32, #tpu.memory_space<vmem>>) target_semaphore(%run_scoped3A : memref<!tpu.dma_semaphore, #tpu.memory_space<semaphore_mem>>)
      %dma_wait3A_138 = arith.constant 0 : i32
      %dma_wait3A_139 = arith.constant 0 : i32
      %dma_wait3A_140 = tpu.memref_slice %arg4[%dma_wait3A_138, %dma_wait3A_139] : memref<512x64xf32, #tpu.memory_space<hbm>> -> memref<200x64xf32, #tpu.memory_space<hbm>>
      %dma_wait3A_141 = arith.constant 0 : i32
      %dma_wait3A_142 = arith.constant 0 : i32
      %dma_wait3A_143 = tpu.memref_slice %arg4[%dma_wait3A_141, %dma_wait3A_142] : memref<512x64xf32, #tpu.memory_space<hbm>> -> memref<200x64xf32, #tpu.memory_space<hbm>>
      tpu.wait_dma2 semaphore(%run_scoped3A : memref<!tpu.dma_semaphore, #tpu.memory_space<semaphore_mem>>) src(%dma_wait3A_143 : memref<200x64xf32, #tpu.memory_space<hbm>>) dst(%arg10 : memref<200x64xf32, #tpu.memory_space<vmem>>)
      tpu.yield
    }) : () -> ()
    %add3A_3 = arith.constant 0 : i32
    %add3A_4 = arith.addi %mul3A_2, %add3A_3 : i32
    "tpu.region"() ({
      %run_scoped3A = tpu.sem_alloc : memref<!tpu.dma_semaphore, #tpu.memory_space<semaphore_mem>>
      %dma_start3A_132 = tpu.memref_slice %arg2[%add3A_4] : memref<819200xi32, #tpu.memory_space<hbm>> -> memref<800xi32, #tpu.memory_space<hbm>>
      %dma_start3A_133 = tpu.memref_slice %arg2[%add3A_4] : memref<819200xi32, #tpu.memory_space<hbm>> -> memref<800xi32, #tpu.memory_space<hbm>>
      tpu.enqueue_dma source(%dma_start3A_133 : memref<800xi32, #tpu.memory_space<hbm>>) target(%arg6 : memref<800xi32, #tpu.memory_space<vmem>>) target_semaphore(%run_scoped3A : memref<!tpu.dma_semaphore, #tpu.memory_space<semaphore_mem>>)
      %dma_wait3A_134 = tpu.memref_slice %arg2[%add3A_4] : memref<819200xi32, #tpu.memory_space<hbm>> -> memref<800xi32, #tpu.memory_space<hbm>>
      %dma_wait3A_135 = tpu.memref_slice %arg2[%add3A_4] : memref<819200xi32, #tpu.memory_space<hbm>> -> memref<800xi32, #tpu.memory_space<hbm>>
      tpu.wait_dma2 semaphore(%run_scoped3A : memref<!tpu.dma_semaphore, #tpu.memory_space<semaphore_mem>>) src(%dma_wait3A_135 : memref<800xi32, #tpu.memory_space<hbm>>) dst(%arg6 : memref<800xi32, #tpu.memory_space<vmem>>)
      tpu.yield
    }) : () -> ()
    %dma_start3A = arith.constant 0 : i32
    %dma_start3A_5 = arith.constant 0 : i32
    %dma_start3A_6 = arith.constant 0 : i32
    %dma_start3A_7 = tpu.memref_slice %arg8[%dma_start3A, %dma_start3A_5, %dma_start3A_6] : memref<4x200x64xf32, #tpu.memory_space<vmem>> -> memref<1x200x64xf32, #tpu.memory_space<vmem>>
    %dma_start3A_8 = tpu.memref_squeeze %dma_start3A_7 : memref<1x200x64xf32, #tpu.memory_space<vmem>> -> memref<200x64xf32, #tpu.memory_space<vmem>>
    %dma_start3A_9 = arith.constant 0 : i32
    %dma_start3A_10 = arith.constant 0 : i32
    %dma_start3A_11 = tpu.memref_slice %dma_start3A_8[%dma_start3A_9, %dma_start3A_10] : memref<200x64xf32, #tpu.memory_space<vmem>> -> memref<128x64xf32, #tpu.memory_space<vmem>>
    %dma_start3A_12 = arith.constant 0 : i32
    %dma_start3A_13 = tpu.memref_slice %arg6[%dma_start3A_12] : memref<800xi32, #tpu.memory_space<vmem>> -> memref<128xi32, #tpu.memory_space<vmem>>
    %dma_start3A_14 = arith.constant 0 : i32
    %dma_start3A_15 = arith.constant 0 : i32
    %dma_start3A_16 = tpu.memref_slice %arg3[%dma_start3A_14, %dma_start3A_15] : memref<1000000x64xf32, #tpu.memory_space<hbm>> -> memref<1000000x64xf32, #tpu.memory_space<hbm>>
    tpu.enqueue_indirect_dma source(%dma_start3A_16 : memref<1000000x64xf32, #tpu.memory_space<hbm>>) target(%dma_start3A_11 : memref<128x64xf32, #tpu.memory_space<vmem>>) offsets(%dma_start3A_13 : memref<128xi32, #tpu.memory_space<vmem>>) semaphore(%arg11 : memref<!tpu.dma_semaphore, #tpu.memory_space<semaphore_mem>>)
    %dma_start3A_17 = arith.constant 0 : i32
    %dma_start3A_18 = arith.constant 0 : i32
    %dma_start3A_19 = arith.constant 0 : i32
    %dma_start3A_20 = tpu.memref_slice %arg8[%dma_start3A_17, %dma_start3A_18, %dma_start3A_19] : memref<4x200x64xf32, #tpu.memory_space<vmem>> -> memref<1x200x64xf32, #tpu.memory_space<vmem>>
    %dma_start3A_21 = tpu.memref_squeeze %dma_start3A_20 : memref<1x200x64xf32, #tpu.memory_space<vmem>> -> memref<200x64xf32, #tpu.memory_space<vmem>>
    %dma_start3A_22 = arith.constant 128 : i32
    %dma_start3A_23 = arith.constant 0 : i32
    %dma_start3A_24 = tpu.memref_slice %dma_start3A_21[%dma_start3A_22, %dma_start3A_23] : memref<200x64xf32, #tpu.memory_space<vmem>> -> memref<72x64xf32, #tpu.memory_space<vmem>>
    %dma_start3A_25 = arith.constant 128 : i32
    %dma_start3A_26 = tpu.memref_slice %arg6[%dma_start3A_25] : memref<800xi32, #tpu.memory_space<vmem>> -> memref<72xi32, #tpu.memory_space<vmem>>
    %dma_start3A_27 = arith.constant 0 : i32
    %dma_start3A_28 = arith.constant 0 : i32
    %dma_start3A_29 = tpu.memref_slice %arg3[%dma_start3A_27, %dma_start3A_28] : memref<1000000x64xf32, #tpu.memory_space<hbm>> -> memref<1000000x64xf32, #tpu.memory_space<hbm>>
    tpu.enqueue_indirect_dma source(%dma_start3A_29 : memref<1000000x64xf32, #tpu.memory_space<hbm>>) target(%dma_start3A_24 : memref<72x64xf32, #tpu.memory_space<vmem>>) offsets(%dma_start3A_26 : memref<72xi32, #tpu.memory_space<vmem>>) semaphore(%arg11 : memref<!tpu.dma_semaphore, #tpu.memory_space<semaphore_mem>>)
    %dma_start3A_30 = arith.constant 1 : i32
    %dma_start3A_31 = arith.constant 0 : i32
    %dma_start3A_32 = arith.constant 0 : i32
    %dma_start3A_33 = tpu.memref_slice %arg8[%dma_start3A_30, %dma_start3A_31, %dma_start3A_32] : memref<4x200x64xf32, #tpu.memory_space<vmem>> -> memref<1x200x64xf32, #tpu.memory_space<vmem>>
    %dma_start3A_34 = tpu.memref_squeeze %dma_start3A_33 : memref<1x200x64xf32, #tpu.memory_space<vmem>> -> memref<200x64xf32, #tpu.memory_space<vmem>>
    %dma_start3A_35 = arith.constant 0 : i32
    %dma_start3A_36 = arith.constant 0 : i32
    %dma_start3A_37 = tpu.memref_slice %dma_start3A_34[%dma_start3A_35, %dma_start3A_36] : memref<200x64xf32, #tpu.memory_space<vmem>> -> memref<128x64xf32, #tpu.memory_space<vmem>>
    %dma_start3A_38 = arith.constant 200 : i32
    %dma_start3A_39 = tpu.memref_slice %arg6[%dma_start3A_38] : memref<800xi32, #tpu.memory_space<vmem>> -> memref<128xi32, #tpu.memory_space<vmem>>
    %dma_start3A_40 = arith.constant 0 : i32
    %dma_start3A_41 = arith.constant 0 : i32
    %dma_start3A_42 = tpu.memref_slice %arg3[%dma_start3A_40, %dma_start3A_41] : memref<1000000x64xf32, #tpu.memory_space<hbm>> -> memref<1000000x64xf32, #tpu.memory_space<hbm>>
    tpu.enqueue_indirect_dma source(%dma_start3A_42 : memref<1000000x64xf32, #tpu.memory_space<hbm>>) target(%dma_start3A_37 : memref<128x64xf32, #tpu.memory_space<vmem>>) offsets(%dma_start3A_39 : memref<128xi32, #tpu.memory_space<vmem>>) semaphore(%arg11 : memref<!tpu.dma_semaphore, #tpu.memory_space<semaphore_mem>>)
    %dma_start3A_43 = arith.constant 1 : i32
    %dma_start3A_44 = arith.constant 0 : i32
    %dma_start3A_45 = arith.constant 0 : i32
    %dma_start3A_46 = tpu.memref_slice %arg8[%dma_start3A_43, %dma_start3A_44, %dma_start3A_45] : memref<4x200x64xf32, #tpu.memory_space<vmem>> -> memref<1x200x64xf32, #tpu.memory_space<vmem>>
    %dma_start3A_47 = tpu.memref_squeeze %dma_start3A_46 : memref<1x200x64xf32, #tpu.memory_space<vmem>> -> memref<200x64xf32, #tpu.memory_space<vmem>>
    %dma_start3A_48 = arith.constant 128 : i32
    %dma_start3A_49 = arith.constant 0 : i32
    %dma_start3A_50 = tpu.memref_slice %dma_start3A_47[%dma_start3A_48, %dma_start3A_49] : memref<200x64xf32, #tpu.memory_space<vmem>> -> memref<72x64xf32, #tpu.memory_space<vmem>>
    %dma_start3A_51 = arith.constant 328 : i32
    %dma_start3A_52 = tpu.memref_slice %arg6[%dma_start3A_51] : memref<800xi32, #tpu.memory_space<vmem>> -> memref<72xi32, #tpu.memory_space<vmem>>
    %dma_start3A_53 = arith.constant 0 : i32
    %dma_start3A_54 = arith.constant 0 : i32
    %dma_start3A_55 = tpu.memref_slice %arg3[%dma_start3A_53, %dma_start3A_54] : memref<1000000x64xf32, #tpu.memory_space<hbm>> -> memref<1000000x64xf32, #tpu.memory_space<hbm>>
    tpu.enqueue_indirect_dma source(%dma_start3A_55 : memref<1000000x64xf32, #tpu.memory_space<hbm>>) target(%dma_start3A_50 : memref<72x64xf32, #tpu.memory_space<vmem>>) offsets(%dma_start3A_52 : memref<72xi32, #tpu.memory_space<vmem>>) semaphore(%arg11 : memref<!tpu.dma_semaphore, #tpu.memory_space<semaphore_mem>>)
    %dma_start3A_56 = arith.constant 2 : i32
    %dma_start3A_57 = arith.constant 0 : i32
    %dma_start3A_58 = arith.constant 0 : i32
    %dma_start3A_59 = tpu.memref_slice %arg8[%dma_start3A_56, %dma_start3A_57, %dma_start3A_58] : memref<4x200x64xf32, #tpu.memory_space<vmem>> -> memref<1x200x64xf32, #tpu.memory_space<vmem>>
    %dma_start3A_60 = tpu.memref_squeeze %dma_start3A_59 : memref<1x200x64xf32, #tpu.memory_space<vmem>> -> memref<200x64xf32, #tpu.memory_space<vmem>>
    %dma_start3A_61 = arith.constant 0 : i32
    %dma_start3A_62 = arith.constant 0 : i32
    %dma_start3A_63 = tpu.memref_slice %dma_start3A_60[%dma_start3A_61, %dma_start3A_62] : memref<200x64xf32, #tpu.memory_space<vmem>> -> memref<128x64xf32, #tpu.memory_space<vmem>>
    %dma_start3A_64 = arith.constant 400 : i32
    %dma_start3A_65 = tpu.memref_slice %arg6[%dma_start3A_64] : memref<800xi32, #tpu.memory_space<vmem>> -> memref<128xi32, #tpu.memory_space<vmem>>
    %dma_start3A_66 = arith.constant 0 : i32
    %dma_start3A_67 = arith.constant 0 : i32
    %dma_start3A_68 = tpu.memref_slice %arg3[%dma_start3A_66, %dma_start3A_67] : memref<1000000x64xf32, #tpu.memory_space<hbm>> -> memref<1000000x64xf32, #tpu.memory_space<hbm>>
    tpu.enqueue_indirect_dma source(%dma_start3A_68 : memref<1000000x64xf32, #tpu.memory_space<hbm>>) target(%dma_start3A_63 : memref<128x64xf32, #tpu.memory_space<vmem>>) offsets(%dma_start3A_65 : memref<128xi32, #tpu.memory_space<vmem>>) semaphore(%arg11 : memref<!tpu.dma_semaphore, #tpu.memory_space<semaphore_mem>>)
    %dma_start3A_69 = arith.constant 2 : i32
    %dma_start3A_70 = arith.constant 0 : i32
    %dma_start3A_71 = arith.constant 0 : i32
    %dma_start3A_72 = tpu.memref_slice %arg8[%dma_start3A_69, %dma_start3A_70, %dma_start3A_71] : memref<4x200x64xf32, #tpu.memory_space<vmem>> -> memref<1x200x64xf32, #tpu.memory_space<vmem>>
    %dma_start3A_73 = tpu.memref_squeeze %dma_start3A_72 : memref<1x200x64xf32, #tpu.memory_space<vmem>> -> memref<200x64xf32, #tpu.memory_space<vmem>>
    %dma_start3A_74 = arith.constant 128 : i32
    %dma_start3A_75 = arith.constant 0 : i32
    %dma_start3A_76 = tpu.memref_slice %dma_start3A_73[%dma_start3A_74, %dma_start3A_75] : memref<200x64xf32, #tpu.memory_space<vmem>> -> memref<72x64xf32, #tpu.memory_space<vmem>>
    %dma_start3A_77 = arith.constant 528 : i32
    %dma_start3A_78 = tpu.memref_slice %arg6[%dma_start3A_77] : memref<800xi32, #tpu.memory_space<vmem>> -> memref<72xi32, #tpu.memory_space<vmem>>
    %dma_start3A_79 = arith.constant 0 : i32
    %dma_start3A_80 = arith.constant 0 : i32
    %dma_start3A_81 = tpu.memref_slice %arg3[%dma_start3A_79, %dma_start3A_80] : memref<1000000x64xf32, #tpu.memory_space<hbm>> -> memref<1000000x64xf32, #tpu.memory_space<hbm>>
    tpu.enqueue_indirect_dma source(%dma_start3A_81 : memref<1000000x64xf32, #tpu.memory_space<hbm>>) target(%dma_start3A_76 : memref<72x64xf32, #tpu.memory_space<vmem>>) offsets(%dma_start3A_78 : memref<72xi32, #tpu.memory_space<vmem>>) semaphore(%arg11 : memref<!tpu.dma_semaphore, #tpu.memory_space<semaphore_mem>>)
    %dma_start3A_82 = arith.constant 3 : i32
    %dma_start3A_83 = arith.constant 0 : i32
    %dma_start3A_84 = arith.constant 0 : i32
    %dma_start3A_85 = tpu.memref_slice %arg8[%dma_start3A_82, %dma_start3A_83, %dma_start3A_84] : memref<4x200x64xf32, #tpu.memory_space<vmem>> -> memref<1x200x64xf32, #tpu.memory_space<vmem>>
    %dma_start3A_86 = tpu.memref_squeeze %dma_start3A_85 : memref<1x200x64xf32, #tpu.memory_space<vmem>> -> memref<200x64xf32, #tpu.memory_space<vmem>>
    %dma_start3A_87 = arith.constant 0 : i32
    %dma_start3A_88 = arith.constant 0 : i32
    %dma_start3A_89 = tpu.memref_slice %dma_start3A_86[%dma_start3A_87, %dma_start3A_88] : memref<200x64xf32, #tpu.memory_space<vmem>> -> memref<128x64xf32, #tpu.memory_space<vmem>>
    %dma_start3A_90 = arith.constant 600 : i32
    %dma_start3A_91 = tpu.memref_slice %arg6[%dma_start3A_90] : memref<800xi32, #tpu.memory_space<vmem>> -> memref<128xi32, #tpu.memory_space<vmem>>
    %dma_start3A_92 = arith.constant 0 : i32
    %dma_start3A_93 = arith.constant 0 : i32
    %dma_start3A_94 = tpu.memref_slice %arg3[%dma_start3A_92, %dma_start3A_93] : memref<1000000x64xf32, #tpu.memory_space<hbm>> -> memref<1000000x64xf32, #tpu.memory_space<hbm>>
    tpu.enqueue_indirect_dma source(%dma_start3A_94 : memref<1000000x64xf32, #tpu.memory_space<hbm>>) target(%dma_start3A_89 : memref<128x64xf32, #tpu.memory_space<vmem>>) offsets(%dma_start3A_91 : memref<128xi32, #tpu.memory_space<vmem>>) semaphore(%arg11 : memref<!tpu.dma_semaphore, #tpu.memory_space<semaphore_mem>>)
    %dma_start3A_95 = arith.constant 3 : i32
    %dma_start3A_96 = arith.constant 0 : i32
    %dma_start3A_97 = arith.constant 0 : i32
    %dma_start3A_98 = tpu.memref_slice %arg8[%dma_start3A_95, %dma_start3A_96, %dma_start3A_97] : memref<4x200x64xf32, #tpu.memory_space<vmem>> -> memref<1x200x64xf32, #tpu.memory_space<vmem>>
    %dma_start3A_99 = tpu.memref_squeeze %dma_start3A_98 : memref<1x200x64xf32, #tpu.memory_space<vmem>> -> memref<200x64xf32, #tpu.memory_space<vmem>>
    %dma_start3A_100 = arith.constant 128 : i32
    %dma_start3A_101 = arith.constant 0 : i32
    %dma_start3A_102 = tpu.memref_slice %dma_start3A_99[%dma_start3A_100, %dma_start3A_101] : memref<200x64xf32, #tpu.memory_space<vmem>> -> memref<72x64xf32, #tpu.memory_space<vmem>>
    %dma_start3A_103 = arith.constant 728 : i32
    %dma_start3A_104 = tpu.memref_slice %arg6[%dma_start3A_103] : memref<800xi32, #tpu.memory_space<vmem>> -> memref<72xi32, #tpu.memory_space<vmem>>
    %dma_start3A_105 = arith.constant 0 : i32
    %dma_start3A_106 = arith.constant 0 : i32
    %dma_start3A_107 = tpu.memref_slice %arg3[%dma_start3A_105, %dma_start3A_106] : memref<1000000x64xf32, #tpu.memory_space<hbm>> -> memref<1000000x64xf32, #tpu.memory_space<hbm>>
    tpu.enqueue_indirect_dma source(%dma_start3A_107 : memref<1000000x64xf32, #tpu.memory_space<hbm>>) target(%dma_start3A_102 : memref<72x64xf32, #tpu.memory_space<vmem>>) offsets(%dma_start3A_104 : memref<72xi32, #tpu.memory_space<vmem>>) semaphore(%arg11 : memref<!tpu.dma_semaphore, #tpu.memory_space<semaphore_mem>>)
    %scan3A = arith.constant 0 : i32
    %scan3A_108 = arith.constant 0 : i32
    %scan3A_109 = arith.constant 16 : i32
    %scan3A_110 = arith.addi %scan3A_108, %scan3A_109 : i32
    %scan3A_111 = arith.constant 1 : i32
    scf.for %scan3A_132 = %scan3A_108 to %scan3A_110 step %scan3A_111  : i32 {
      %mul3A_133 = arith.constant 2 : i32
      %mul3A_134 = arith.muli %mul3A_133, %scan3A_132 : i32
      %gt3A = arith.constant 0 : i32
      %gt3A_135 = arith.cmpi sgt, %scan3A_132, %gt3A : i32
      %convert_element_type3A = arith.extui %gt3A_135 : i1 to i32
      %cond3A = arith.constant 0 : i32
      %cond3A_136 = arith.cmpi ne, %convert_element_type3A, %cond3A : i32
      scf.if %cond3A_136 {
        %sub3A = arith.constant 1 : i32
        %sub3A_496 = arith.subi %mul3A_134, %sub3A : i32
        %mul3A_497 = arith.constant 128 : i32
        %mul3A_498 = arith.muli %add3A, %mul3A_497 : i32
        %mul3A_499 = arith.constant 4 : i32
        %mul3A_500 = arith.muli %sub3A_496, %mul3A_499 : i32
        %add3A_501 = arith.addi %mul3A_498, %mul3A_500 : i32
        %dma_wait3A_502 = arith.constant 0 : i32
        %dma_wait3A_503 = arith.constant 0 : i32
        %dma_wait3A_504 = tpu.memref_slice %arg5[%add3A_501, %dma_wait3A_502, %dma_wait3A_503] : memref<4096x200x128xf32, #tpu.memory_space<hbm>> -> memref<4x200x64xf32, #tpu.memory_space<hbm>>
        %dma_wait3A_505 = arith.constant 0 : i32
        %dma_wait3A_506 = arith.constant 0 : i32
        %dma_wait3A_507 = tpu.memref_slice %arg5[%add3A_501, %dma_wait3A_505, %dma_wait3A_506] : memref<4096x200x128xf32, #tpu.memory_space<hbm>> -> memref<4x200x64xf32, #tpu.memory_space<hbm>>
        tpu.wait_dma2 semaphore(%arg14 : memref<!tpu.dma_semaphore, #tpu.memory_space<semaphore_mem>>) src(%arg9 : memref<4x200x64xf32, #tpu.memory_space<vmem>>) dst(%dma_wait3A_507 : memref<4x200x64xf32, #tpu.memory_space<hbm>>)
      } else {
      }
      %add3A_137 = arith.constant 1 : i32
      %add3A_138 = arith.addi %mul3A_134, %add3A_137 : i32
      %mul3A_139 = arith.constant 800 : i32
      %mul3A_140 = arith.muli %add3A_138, %mul3A_139 : i32
      %add3A_141 = arith.addi %mul3A_2, %mul3A_140 : i32
      "tpu.region"() ({
        %run_scoped3A = tpu.sem_alloc : memref<!tpu.dma_semaphore, #tpu.memory_space<semaphore_mem>>
        %dma_start3A_496 = tpu.memref_slice %arg2[%add3A_141] : memref<819200xi32, #tpu.memory_space<hbm>> -> memref<800xi32, #tpu.memory_space<hbm>>
        %dma_start3A_497 = tpu.memref_slice %arg2[%add3A_141] : memref<819200xi32, #tpu.memory_space<hbm>> -> memref<800xi32, #tpu.memory_space<hbm>>
        tpu.enqueue_dma source(%dma_start3A_497 : memref<800xi32, #tpu.memory_space<hbm>>) target(%arg7 : memref<800xi32, #tpu.memory_space<vmem>>) target_semaphore(%run_scoped3A : memref<!tpu.dma_semaphore, #tpu.memory_space<semaphore_mem>>)
        %dma_wait3A_498 = tpu.memref_slice %arg2[%add3A_141] : memref<819200xi32, #tpu.memory_space<hbm>> -> memref<800xi32, #tpu.memory_space<hbm>>
        %dma_wait3A_499 = tpu.memref_slice %arg2[%add3A_141] : memref<819200xi32, #tpu.memory_space<hbm>> -> memref<800xi32, #tpu.memory_space<hbm>>
        tpu.wait_dma2 semaphore(%run_scoped3A : memref<!tpu.dma_semaphore, #tpu.memory_space<semaphore_mem>>) src(%dma_wait3A_499 : memref<800xi32, #tpu.memory_space<hbm>>) dst(%arg7 : memref<800xi32, #tpu.memory_space<vmem>>)
        tpu.yield
      }) : () -> ()
      %dma_start3A_142 = arith.constant 0 : i32
      %dma_start3A_143 = arith.constant 0 : i32
      %dma_start3A_144 = arith.constant 0 : i32
      %dma_start3A_145 = tpu.memref_slice %arg9[%dma_start3A_142, %dma_start3A_143, %dma_start3A_144] : memref<4x200x64xf32, #tpu.memory_space<vmem>> -> memref<1x200x64xf32, #tpu.memory_space<vmem>>
      %dma_start3A_146 = tpu.memref_squeeze %dma_start3A_145 : memref<1x200x64xf32, #tpu.memory_space<vmem>> -> memref<200x64xf32, #tpu.memory_space<vmem>>
      %dma_start3A_147 = arith.constant 0 : i32
      %dma_start3A_148 = arith.constant 0 : i32
      %dma_start3A_149 = tpu.memref_slice %dma_start3A_146[%dma_start3A_147, %dma_start3A_148] : memref<200x64xf32, #tpu.memory_space<vmem>> -> memref<128x64xf32, #tpu.memory_space<vmem>>
      %dma_start3A_150 = arith.constant 0 : i32
      %dma_start3A_151 = tpu.memref_slice %arg7[%dma_start3A_150] : memref<800xi32, #tpu.memory_space<vmem>> -> memref<128xi32, #tpu.memory_space<vmem>>
      %dma_start3A_152 = arith.constant 0 : i32
      %dma_start3A_153 = arith.constant 0 : i32
      %dma_start3A_154 = tpu.memref_slice %arg3[%dma_start3A_152, %dma_start3A_153] : memref<1000000x64xf32, #tpu.memory_space<hbm>> -> memref<1000000x64xf32, #tpu.memory_space<hbm>>
      tpu.enqueue_indirect_dma source(%dma_start3A_154 : memref<1000000x64xf32, #tpu.memory_space<hbm>>) target(%dma_start3A_149 : memref<128x64xf32, #tpu.memory_space<vmem>>) offsets(%dma_start3A_151 : memref<128xi32, #tpu.memory_space<vmem>>) semaphore(%arg12 : memref<!tpu.dma_semaphore, #tpu.memory_space<semaphore_mem>>)
      %dma_start3A_155 = arith.constant 0 : i32
      %dma_start3A_156 = arith.constant 0 : i32
      %dma_start3A_157 = arith.constant 0 : i32
      %dma_start3A_158 = tpu.memref_slice %arg9[%dma_start3A_155, %dma_start3A_156, %dma_start3A_157] : memref<4x200x64xf32, #tpu.memory_space<vmem>> -> memref<1x200x64xf32, #tpu.memory_space<vmem>>
      %dma_start3A_159 = tpu.memref_squeeze %dma_start3A_158 : memref<1x200x64xf32, #tpu.memory_space<vmem>> -> memref<200x64xf32, #tpu.memory_space<vmem>>
      %dma_start3A_160 = arith.constant 128 : i32
      %dma_start3A_161 = arith.constant 0 : i32
      %dma_start3A_162 = tpu.memref_slice %dma_start3A_159[%dma_start3A_160, %dma_start3A_161] : memref<200x64xf32, #tpu.memory_space<vmem>> -> memref<72x64xf32, #tpu.memory_space<vmem>>
      %dma_start3A_163 = arith.constant 128 : i32
      %dma_start3A_164 = tpu.memref_slice %arg7[%dma_start3A_163] : memref<800xi32, #tpu.memory_space<vmem>> -> memref<72xi32, #tpu.memory_space<vmem>>
      %dma_start3A_165 = arith.constant 0 : i32
      %dma_start3A_166 = arith.constant 0 : i32
      %dma_start3A_167 = tpu.memref_slice %arg3[%dma_start3A_165, %dma_start3A_166] : memref<1000000x64xf32, #tpu.memory_space<hbm>> -> memref<1000000x64xf32, #tpu.memory_space<hbm>>
      tpu.enqueue_indirect_dma source(%dma_start3A_167 : memref<1000000x64xf32, #tpu.memory_space<hbm>>) target(%dma_start3A_162 : memref<72x64xf32, #tpu.memory_space<vmem>>) offsets(%dma_start3A_164 : memref<72xi32, #tpu.memory_space<vmem>>) semaphore(%arg12 : memref<!tpu.dma_semaphore, #tpu.memory_space<semaphore_mem>>)
      %dma_start3A_168 = arith.constant 1 : i32
      %dma_start3A_169 = arith.constant 0 : i32
      %dma_start3A_170 = arith.constant 0 : i32
      %dma_start3A_171 = tpu.memref_slice %arg9[%dma_start3A_168, %dma_start3A_169, %dma_start3A_170] : memref<4x200x64xf32, #tpu.memory_space<vmem>> -> memref<1x200x64xf32, #tpu.memory_space<vmem>>
      %dma_start3A_172 = tpu.memref_squeeze %dma_start3A_171 : memref<1x200x64xf32, #tpu.memory_space<vmem>> -> memref<200x64xf32, #tpu.memory_space<vmem>>
      %dma_start3A_173 = arith.constant 0 : i32
      %dma_start3A_174 = arith.constant 0 : i32
      %dma_start3A_175 = tpu.memref_slice %dma_start3A_172[%dma_start3A_173, %dma_start3A_174] : memref<200x64xf32, #tpu.memory_space<vmem>> -> memref<128x64xf32, #tpu.memory_space<vmem>>
      %dma_start3A_176 = arith.constant 200 : i32
      %dma_start3A_177 = tpu.memref_slice %arg7[%dma_start3A_176] : memref<800xi32, #tpu.memory_space<vmem>> -> memref<128xi32, #tpu.memory_space<vmem>>
      %dma_start3A_178 = arith.constant 0 : i32
      %dma_start3A_179 = arith.constant 0 : i32
      %dma_start3A_180 = tpu.memref_slice %arg3[%dma_start3A_178, %dma_start3A_179] : memref<1000000x64xf32, #tpu.memory_space<hbm>> -> memref<1000000x64xf32, #tpu.memory_space<hbm>>
      tpu.enqueue_indirect_dma source(%dma_start3A_180 : memref<1000000x64xf32, #tpu.memory_space<hbm>>) target(%dma_start3A_175 : memref<128x64xf32, #tpu.memory_space<vmem>>) offsets(%dma_start3A_177 : memref<128xi32, #tpu.memory_space<vmem>>) semaphore(%arg12 : memref<!tpu.dma_semaphore, #tpu.memory_space<semaphore_mem>>)
      %dma_start3A_181 = arith.constant 1 : i32
      %dma_start3A_182 = arith.constant 0 : i32
      %dma_start3A_183 = arith.constant 0 : i32
      %dma_start3A_184 = tpu.memref_slice %arg9[%dma_start3A_181, %dma_start3A_182, %dma_start3A_183] : memref<4x200x64xf32, #tpu.memory_space<vmem>> -> memref<1x200x64xf32, #tpu.memory_space<vmem>>
      %dma_start3A_185 = tpu.memref_squeeze %dma_start3A_184 : memref<1x200x64xf32, #tpu.memory_space<vmem>> -> memref<200x64xf32, #tpu.memory_space<vmem>>
      %dma_start3A_186 = arith.constant 128 : i32
      %dma_start3A_187 = arith.constant 0 : i32
      %dma_start3A_188 = tpu.memref_slice %dma_start3A_185[%dma_start3A_186, %dma_start3A_187] : memref<200x64xf32, #tpu.memory_space<vmem>> -> memref<72x64xf32, #tpu.memory_space<vmem>>
      %dma_start3A_189 = arith.constant 328 : i32
      %dma_start3A_190 = tpu.memref_slice %arg7[%dma_start3A_189] : memref<800xi32, #tpu.memory_space<vmem>> -> memref<72xi32, #tpu.memory_space<vmem>>
      %dma_start3A_191 = arith.constant 0 : i32
      %dma_start3A_192 = arith.constant 0 : i32
      %dma_start3A_193 = tpu.memref_slice %arg3[%dma_start3A_191, %dma_start3A_192] : memref<1000000x64xf32, #tpu.memory_space<hbm>> -> memref<1000000x64xf32, #tpu.memory_space<hbm>>
      tpu.enqueue_indirect_dma source(%dma_start3A_193 : memref<1000000x64xf32, #tpu.memory_space<hbm>>) target(%dma_start3A_188 : memref<72x64xf32, #tpu.memory_space<vmem>>) offsets(%dma_start3A_190 : memref<72xi32, #tpu.memory_space<vmem>>) semaphore(%arg12 : memref<!tpu.dma_semaphore, #tpu.memory_space<semaphore_mem>>)
      %dma_start3A_194 = arith.constant 2 : i32
      %dma_start3A_195 = arith.constant 0 : i32
      %dma_start3A_196 = arith.constant 0 : i32
      %dma_start3A_197 = tpu.memref_slice %arg9[%dma_start3A_194, %dma_start3A_195, %dma_start3A_196] : memref<4x200x64xf32, #tpu.memory_space<vmem>> -> memref<1x200x64xf32, #tpu.memory_space<vmem>>
      %dma_start3A_198 = tpu.memref_squeeze %dma_start3A_197 : memref<1x200x64xf32, #tpu.memory_space<vmem>> -> memref<200x64xf32, #tpu.memory_space<vmem>>
      %dma_start3A_199 = arith.constant 0 : i32
      %dma_start3A_200 = arith.constant 0 : i32
      %dma_start3A_201 = tpu.memref_slice %dma_start3A_198[%dma_start3A_199, %dma_start3A_200] : memref<200x64xf32, #tpu.memory_space<vmem>> -> memref<128x64xf32, #tpu.memory_space<vmem>>
      %dma_start3A_202 = arith.constant 400 : i32
      %dma_start3A_203 = tpu.memref_slice %arg7[%dma_start3A_202] : memref<800xi32, #tpu.memory_space<vmem>> -> memref<128xi32, #tpu.memory_space<vmem>>
      %dma_start3A_204 = arith.constant 0 : i32
      %dma_start3A_205 = arith.constant 0 : i32
      %dma_start3A_206 = tpu.memref_slice %arg3[%dma_start3A_204, %dma_start3A_205] : memref<1000000x64xf32, #tpu.memory_space<hbm>> -> memref<1000000x64xf32, #tpu.memory_space<hbm>>
      tpu.enqueue_indirect_dma source(%dma_start3A_206 : memref<1000000x64xf32, #tpu.memory_space<hbm>>) target(%dma_start3A_201 : memref<128x64xf32, #tpu.memory_space<vmem>>) offsets(%dma_start3A_203 : memref<128xi32, #tpu.memory_space<vmem>>) semaphore(%arg12 : memref<!tpu.dma_semaphore, #tpu.memory_space<semaphore_mem>>)
      %dma_start3A_207 = arith.constant 2 : i32
      %dma_start3A_208 = arith.constant 0 : i32
      %dma_start3A_209 = arith.constant 0 : i32
      %dma_start3A_210 = tpu.memref_slice %arg9[%dma_start3A_207, %dma_start3A_208, %dma_start3A_209] : memref<4x200x64xf32, #tpu.memory_space<vmem>> -> memref<1x200x64xf32, #tpu.memory_space<vmem>>
      %dma_start3A_211 = tpu.memref_squeeze %dma_start3A_210 : memref<1x200x64xf32, #tpu.memory_space<vmem>> -> memref<200x64xf32, #tpu.memory_space<vmem>>
      %dma_start3A_212 = arith.constant 128 : i32
      %dma_start3A_213 = arith.constant 0 : i32
      %dma_start3A_214 = tpu.memref_slice %dma_start3A_211[%dma_start3A_212, %dma_start3A_213] : memref<200x64xf32, #tpu.memory_space<vmem>> -> memref<72x64xf32, #tpu.memory_space<vmem>>
      %dma_start3A_215 = arith.constant 528 : i32
      %dma_start3A_216 = tpu.memref_slice %arg7[%dma_start3A_215] : memref<800xi32, #tpu.memory_space<vmem>> -> memref<72xi32, #tpu.memory_space<vmem>>
      %dma_start3A_217 = arith.constant 0 : i32
      %dma_start3A_218 = arith.constant 0 : i32
      %dma_start3A_219 = tpu.memref_slice %arg3[%dma_start3A_217, %dma_start3A_218] : memref<1000000x64xf32, #tpu.memory_space<hbm>> -> memref<1000000x64xf32, #tpu.memory_space<hbm>>
      tpu.enqueue_indirect_dma source(%dma_start3A_219 : memref<1000000x64xf32, #tpu.memory_space<hbm>>) target(%dma_start3A_214 : memref<72x64xf32, #tpu.memory_space<vmem>>) offsets(%dma_start3A_216 : memref<72xi32, #tpu.memory_space<vmem>>) semaphore(%arg12 : memref<!tpu.dma_semaphore, #tpu.memory_space<semaphore_mem>>)
      %dma_start3A_220 = arith.constant 3 : i32
      %dma_start3A_221 = arith.constant 0 : i32
      %dma_start3A_222 = arith.constant 0 : i32
      %dma_start3A_223 = tpu.memref_slice %arg9[%dma_start3A_220, %dma_start3A_221, %dma_start3A_222] : memref<4x200x64xf32, #tpu.memory_space<vmem>> -> memref<1x200x64xf32, #tpu.memory_space<vmem>>
      %dma_start3A_224 = tpu.memref_squeeze %dma_start3A_223 : memref<1x200x64xf32, #tpu.memory_space<vmem>> -> memref<200x64xf32, #tpu.memory_space<vmem>>
      %dma_start3A_225 = arith.constant 0 : i32
      %dma_start3A_226 = arith.constant 0 : i32
      %dma_start3A_227 = tpu.memref_slice %dma_start3A_224[%dma_start3A_225, %dma_start3A_226] : memref<200x64xf32, #tpu.memory_space<vmem>> -> memref<128x64xf32, #tpu.memory_space<vmem>>
      %dma_start3A_228 = arith.constant 600 : i32
      %dma_start3A_229 = tpu.memref_slice %arg7[%dma_start3A_228] : memref<800xi32, #tpu.memory_space<vmem>> -> memref<128xi32, #tpu.memory_space<vmem>>
      %dma_start3A_230 = arith.constant 0 : i32
      %dma_start3A_231 = arith.constant 0 : i32
      %dma_start3A_232 = tpu.memref_slice %arg3[%dma_start3A_230, %dma_start3A_231] : memref<1000000x64xf32, #tpu.memory_space<hbm>> -> memref<1000000x64xf32, #tpu.memory_space<hbm>>
      tpu.enqueue_indirect_dma source(%dma_start3A_232 : memref<1000000x64xf32, #tpu.memory_space<hbm>>) target(%dma_start3A_227 : memref<128x64xf32, #tpu.memory_space<vmem>>) offsets(%dma_start3A_229 : memref<128xi32, #tpu.memory_space<vmem>>) semaphore(%arg12 : memref<!tpu.dma_semaphore, #tpu.memory_space<semaphore_mem>>)
      %dma_start3A_233 = arith.constant 3 : i32
      %dma_start3A_234 = arith.constant 0 : i32
      %dma_start3A_235 = arith.constant 0 : i32
      %dma_start3A_236 = tpu.memref_slice %arg9[%dma_start3A_233, %dma_start3A_234, %dma_start3A_235] : memref<4x200x64xf32, #tpu.memory_space<vmem>> -> memref<1x200x64xf32, #tpu.memory_space<vmem>>
      %dma_start3A_237 = tpu.memref_squeeze %dma_start3A_236 : memref<1x200x64xf32, #tpu.memory_space<vmem>> -> memref<200x64xf32, #tpu.memory_space<vmem>>
      %dma_start3A_238 = arith.constant 128 : i32
      %dma_start3A_239 = arith.constant 0 : i32
      %dma_start3A_240 = tpu.memref_slice %dma_start3A_237[%dma_start3A_238, %dma_start3A_239] : memref<200x64xf32, #tpu.memory_space<vmem>> -> memref<72x64xf32, #tpu.memory_space<vmem>>
      %dma_start3A_241 = arith.constant 728 : i32
      %dma_start3A_242 = tpu.memref_slice %arg7[%dma_start3A_241] : memref<800xi32, #tpu.memory_space<vmem>> -> memref<72xi32, #tpu.memory_space<vmem>>
      %dma_start3A_243 = arith.constant 0 : i32
      %dma_start3A_244 = arith.constant 0 : i32
      %dma_start3A_245 = tpu.memref_slice %arg3[%dma_start3A_243, %dma_start3A_244] : memref<1000000x64xf32, #tpu.memory_space<hbm>> -> memref<1000000x64xf32, #tpu.memory_space<hbm>>
      tpu.enqueue_indirect_dma source(%dma_start3A_245 : memref<1000000x64xf32, #tpu.memory_space<hbm>>) target(%dma_start3A_240 : memref<72x64xf32, #tpu.memory_space<vmem>>) offsets(%dma_start3A_242 : memref<72xi32, #tpu.memory_space<vmem>>) semaphore(%arg12 : memref<!tpu.dma_semaphore, #tpu.memory_space<semaphore_mem>>)
      %dma_wait3A_246 = arith.constant 0 : i32
      %dma_wait3A_247 = arith.constant 0 : i32
      %dma_wait3A_248 = arith.constant 0 : i32
      %dma_wait3A_249 = tpu.memref_slice %arg8[%dma_wait3A_246, %dma_wait3A_247, %dma_wait3A_248] : memref<4x200x64xf32, #tpu.memory_space<vmem>> -> memref<1x200x64xf32, #tpu.memory_space<vmem>>
      %dma_wait3A_250 = tpu.memref_squeeze %dma_wait3A_249 : memref<1x200x64xf32, #tpu.memory_space<vmem>> -> memref<200x64xf32, #tpu.memory_space<vmem>>
      %dma_wait3A_251 = arith.constant 0 : i32
      %dma_wait3A_252 = arith.constant 0 : i32
      %dma_wait3A_253 = tpu.memref_slice %dma_wait3A_250[%dma_wait3A_251, %dma_wait3A_252] : memref<200x64xf32, #tpu.memory_space<vmem>> -> memref<128x64xf32, #tpu.memory_space<vmem>>
      %dma_wait3A_254 = arith.constant 0 : i32
      %dma_wait3A_255 = tpu.memref_slice %arg6[%dma_wait3A_254] : memref<800xi32, #tpu.memory_space<vmem>> -> memref<128xi32, #tpu.memory_space<vmem>>
      %dma_wait3A_256 = arith.constant 0 : i32
      %dma_wait3A_257 = arith.constant 0 : i32
      %dma_wait3A_258 = tpu.memref_slice %arg3[%dma_wait3A_256, %dma_wait3A_257] : memref<1000000x64xf32, #tpu.memory_space<hbm>> -> memref<1000000x64xf32, #tpu.memory_space<hbm>>
      tpu.wait_indirect_dma semaphore(%arg11 : memref<!tpu.dma_semaphore, #tpu.memory_space<semaphore_mem>>) src(%dma_wait3A_258 : memref<1000000x64xf32, #tpu.memory_space<hbm>>) dst(%dma_wait3A_253 : memref<128x64xf32, #tpu.memory_space<vmem>>)
      %dma_wait3A_259 = arith.constant 0 : i32
      %dma_wait3A_260 = arith.constant 0 : i32
      %dma_wait3A_261 = arith.constant 0 : i32
      %dma_wait3A_262 = tpu.memref_slice %arg8[%dma_wait3A_259, %dma_wait3A_260, %dma_wait3A_261] : memref<4x200x64xf32, #tpu.memory_space<vmem>> -> memref<1x200x64xf32, #tpu.memory_space<vmem>>
      %dma_wait3A_263 = tpu.memref_squeeze %dma_wait3A_262 : memref<1x200x64xf32, #tpu.memory_space<vmem>> -> memref<200x64xf32, #tpu.memory_space<vmem>>
      %dma_wait3A_264 = arith.constant 128 : i32
      %dma_wait3A_265 = arith.constant 0 : i32
      %dma_wait3A_266 = tpu.memref_slice %dma_wait3A_263[%dma_wait3A_264, %dma_wait3A_265] : memref<200x64xf32, #tpu.memory_space<vmem>> -> memref<72x64xf32, #tpu.memory_space<vmem>>
      %dma_wait3A_267 = arith.constant 128 : i32
      %dma_wait3A_268 = tpu.memref_slice %arg6[%dma_wait3A_267] : memref<800xi32, #tpu.memory_space<vmem>> -> memref<72xi32, #tpu.memory_space<vmem>>
      %dma_wait3A_269 = arith.constant 0 : i32
      %dma_wait3A_270 = arith.constant 0 : i32
      %dma_wait3A_271 = tpu.memref_slice %arg3[%dma_wait3A_269, %dma_wait3A_270] : memref<1000000x64xf32, #tpu.memory_space<hbm>> -> memref<1000000x64xf32, #tpu.memory_space<hbm>>
      tpu.wait_indirect_dma semaphore(%arg11 : memref<!tpu.dma_semaphore, #tpu.memory_space<semaphore_mem>>) src(%dma_wait3A_271 : memref<1000000x64xf32, #tpu.memory_space<hbm>>) dst(%dma_wait3A_266 : memref<72x64xf32, #tpu.memory_space<vmem>>)
      %dma_wait3A_272 = arith.constant 1 : i32
      %dma_wait3A_273 = arith.constant 0 : i32
      %dma_wait3A_274 = arith.constant 0 : i32
      %dma_wait3A_275 = tpu.memref_slice %arg8[%dma_wait3A_272, %dma_wait3A_273, %dma_wait3A_274] : memref<4x200x64xf32, #tpu.memory_space<vmem>> -> memref<1x200x64xf32, #tpu.memory_space<vmem>>
      %dma_wait3A_276 = tpu.memref_squeeze %dma_wait3A_275 : memref<1x200x64xf32, #tpu.memory_space<vmem>> -> memref<200x64xf32, #tpu.memory_space<vmem>>
      %dma_wait3A_277 = arith.constant 0 : i32
      %dma_wait3A_278 = arith.constant 0 : i32
      %dma_wait3A_279 = tpu.memref_slice %dma_wait3A_276[%dma_wait3A_277, %dma_wait3A_278] : memref<200x64xf32, #tpu.memory_space<vmem>> -> memref<128x64xf32, #tpu.memory_space<vmem>>
      %dma_wait3A_280 = arith.constant 200 : i32
      %dma_wait3A_281 = tpu.memref_slice %arg6[%dma_wait3A_280] : memref<800xi32, #tpu.memory_space<vmem>> -> memref<128xi32, #tpu.memory_space<vmem>>
      %dma_wait3A_282 = arith.constant 0 : i32
      %dma_wait3A_283 = arith.constant 0 : i32
      %dma_wait3A_284 = tpu.memref_slice %arg3[%dma_wait3A_282, %dma_wait3A_283] : memref<1000000x64xf32, #tpu.memory_space<hbm>> -> memref<1000000x64xf32, #tpu.memory_space<hbm>>
      tpu.wait_indirect_dma semaphore(%arg11 : memref<!tpu.dma_semaphore, #tpu.memory_space<semaphore_mem>>) src(%dma_wait3A_284 : memref<1000000x64xf32, #tpu.memory_space<hbm>>) dst(%dma_wait3A_279 : memref<128x64xf32, #tpu.memory_space<vmem>>)
      %dma_wait3A_285 = arith.constant 1 : i32
      %dma_wait3A_286 = arith.constant 0 : i32
      %dma_wait3A_287 = arith.constant 0 : i32
      %dma_wait3A_288 = tpu.memref_slice %arg8[%dma_wait3A_285, %dma_wait3A_286, %dma_wait3A_287] : memref<4x200x64xf32, #tpu.memory_space<vmem>> -> memref<1x200x64xf32, #tpu.memory_space<vmem>>
      %dma_wait3A_289 = tpu.memref_squeeze %dma_wait3A_288 : memref<1x200x64xf32, #tpu.memory_space<vmem>> -> memref<200x64xf32, #tpu.memory_space<vmem>>
      %dma_wait3A_290 = arith.constant 128 : i32
      %dma_wait3A_291 = arith.constant 0 : i32
      %dma_wait3A_292 = tpu.memref_slice %dma_wait3A_289[%dma_wait3A_290, %dma_wait3A_291] : memref<200x64xf32, #tpu.memory_space<vmem>> -> memref<72x64xf32, #tpu.memory_space<vmem>>
      %dma_wait3A_293 = arith.constant 328 : i32
      %dma_wait3A_294 = tpu.memref_slice %arg6[%dma_wait3A_293] : memref<800xi32, #tpu.memory_space<vmem>> -> memref<72xi32, #tpu.memory_space<vmem>>
      %dma_wait3A_295 = arith.constant 0 : i32
      %dma_wait3A_296 = arith.constant 0 : i32
      %dma_wait3A_297 = tpu.memref_slice %arg3[%dma_wait3A_295, %dma_wait3A_296] : memref<1000000x64xf32, #tpu.memory_space<hbm>> -> memref<1000000x64xf32, #tpu.memory_space<hbm>>
      tpu.wait_indirect_dma semaphore(%arg11 : memref<!tpu.dma_semaphore, #tpu.memory_space<semaphore_mem>>) src(%dma_wait3A_297 : memref<1000000x64xf32, #tpu.memory_space<hbm>>) dst(%dma_wait3A_292 : memref<72x64xf32, #tpu.memory_space<vmem>>)
      %dma_wait3A_298 = arith.constant 2 : i32
      %dma_wait3A_299 = arith.constant 0 : i32
      %dma_wait3A_300 = arith.constant 0 : i32
      %dma_wait3A_301 = tpu.memref_slice %arg8[%dma_wait3A_298, %dma_wait3A_299, %dma_wait3A_300] : memref<4x200x64xf32, #tpu.memory_space<vmem>> -> memref<1x200x64xf32, #tpu.memory_space<vmem>>
      %dma_wait3A_302 = tpu.memref_squeeze %dma_wait3A_301 : memref<1x200x64xf32, #tpu.memory_space<vmem>> -> memref<200x64xf32, #tpu.memory_space<vmem>>
      %dma_wait3A_303 = arith.constant 0 : i32
      %dma_wait3A_304 = arith.constant 0 : i32
      %dma_wait3A_305 = tpu.memref_slice %dma_wait3A_302[%dma_wait3A_303, %dma_wait3A_304] : memref<200x64xf32, #tpu.memory_space<vmem>> -> memref<128x64xf32, #tpu.memory_space<vmem>>
      %dma_wait3A_306 = arith.constant 400 : i32
      %dma_wait3A_307 = tpu.memref_slice %arg6[%dma_wait3A_306] : memref<800xi32, #tpu.memory_space<vmem>> -> memref<128xi32, #tpu.memory_space<vmem>>
      %dma_wait3A_308 = arith.constant 0 : i32
      %dma_wait3A_309 = arith.constant 0 : i32
      %dma_wait3A_310 = tpu.memref_slice %arg3[%dma_wait3A_308, %dma_wait3A_309] : memref<1000000x64xf32, #tpu.memory_space<hbm>> -> memref<1000000x64xf32, #tpu.memory_space<hbm>>
      tpu.wait_indirect_dma semaphore(%arg11 : memref<!tpu.dma_semaphore, #tpu.memory_space<semaphore_mem>>) src(%dma_wait3A_310 : memref<1000000x64xf32, #tpu.memory_space<hbm>>) dst(%dma_wait3A_305 : memref<128x64xf32, #tpu.memory_space<vmem>>)
      %dma_wait3A_311 = arith.constant 2 : i32
      %dma_wait3A_312 = arith.constant 0 : i32
      %dma_wait3A_313 = arith.constant 0 : i32
      %dma_wait3A_314 = tpu.memref_slice %arg8[%dma_wait3A_311, %dma_wait3A_312, %dma_wait3A_313] : memref<4x200x64xf32, #tpu.memory_space<vmem>> -> memref<1x200x64xf32, #tpu.memory_space<vmem>>
      %dma_wait3A_315 = tpu.memref_squeeze %dma_wait3A_314 : memref<1x200x64xf32, #tpu.memory_space<vmem>> -> memref<200x64xf32, #tpu.memory_space<vmem>>
      %dma_wait3A_316 = arith.constant 128 : i32
      %dma_wait3A_317 = arith.constant 0 : i32
      %dma_wait3A_318 = tpu.memref_slice %dma_wait3A_315[%dma_wait3A_316, %dma_wait3A_317] : memref<200x64xf32, #tpu.memory_space<vmem>> -> memref<72x64xf32, #tpu.memory_space<vmem>>
      %dma_wait3A_319 = arith.constant 528 : i32
      %dma_wait3A_320 = tpu.memref_slice %arg6[%dma_wait3A_319] : memref<800xi32, #tpu.memory_space<vmem>> -> memref<72xi32, #tpu.memory_space<vmem>>
      %dma_wait3A_321 = arith.constant 0 : i32
      %dma_wait3A_322 = arith.constant 0 : i32
      %dma_wait3A_323 = tpu.memref_slice %arg3[%dma_wait3A_321, %dma_wait3A_322] : memref<1000000x64xf32, #tpu.memory_space<hbm>> -> memref<1000000x64xf32, #tpu.memory_space<hbm>>
      tpu.wait_indirect_dma semaphore(%arg11 : memref<!tpu.dma_semaphore, #tpu.memory_space<semaphore_mem>>) src(%dma_wait3A_323 : memref<1000000x64xf32, #tpu.memory_space<hbm>>) dst(%dma_wait3A_318 : memref<72x64xf32, #tpu.memory_space<vmem>>)
      %dma_wait3A_324 = arith.constant 3 : i32
      %dma_wait3A_325 = arith.constant 0 : i32
      %dma_wait3A_326 = arith.constant 0 : i32
      %dma_wait3A_327 = tpu.memref_slice %arg8[%dma_wait3A_324, %dma_wait3A_325, %dma_wait3A_326] : memref<4x200x64xf32, #tpu.memory_space<vmem>> -> memref<1x200x64xf32, #tpu.memory_space<vmem>>
      %dma_wait3A_328 = tpu.memref_squeeze %dma_wait3A_327 : memref<1x200x64xf32, #tpu.memory_space<vmem>> -> memref<200x64xf32, #tpu.memory_space<vmem>>
      %dma_wait3A_329 = arith.constant 0 : i32
      %dma_wait3A_330 = arith.constant 0 : i32
      %dma_wait3A_331 = tpu.memref_slice %dma_wait3A_328[%dma_wait3A_329, %dma_wait3A_330] : memref<200x64xf32, #tpu.memory_space<vmem>> -> memref<128x64xf32, #tpu.memory_space<vmem>>
      %dma_wait3A_332 = arith.constant 600 : i32
      %dma_wait3A_333 = tpu.memref_slice %arg6[%dma_wait3A_332] : memref<800xi32, #tpu.memory_space<vmem>> -> memref<128xi32, #tpu.memory_space<vmem>>
      %dma_wait3A_334 = arith.constant 0 : i32
      %dma_wait3A_335 = arith.constant 0 : i32
      %dma_wait3A_336 = tpu.memref_slice %arg3[%dma_wait3A_334, %dma_wait3A_335] : memref<1000000x64xf32, #tpu.memory_space<hbm>> -> memref<1000000x64xf32, #tpu.memory_space<hbm>>
      tpu.wait_indirect_dma semaphore(%arg11 : memref<!tpu.dma_semaphore, #tpu.memory_space<semaphore_mem>>) src(%dma_wait3A_336 : memref<1000000x64xf32, #tpu.memory_space<hbm>>) dst(%dma_wait3A_331 : memref<128x64xf32, #tpu.memory_space<vmem>>)
      %dma_wait3A_337 = arith.constant 3 : i32
      %dma_wait3A_338 = arith.constant 0 : i32
      %dma_wait3A_339 = arith.constant 0 : i32
      %dma_wait3A_340 = tpu.memref_slice %arg8[%dma_wait3A_337, %dma_wait3A_338, %dma_wait3A_339] : memref<4x200x64xf32, #tpu.memory_space<vmem>> -> memref<1x200x64xf32, #tpu.memory_space<vmem>>
      %dma_wait3A_341 = tpu.memref_squeeze %dma_wait3A_340 : memref<1x200x64xf32, #tpu.memory_space<vmem>> -> memref<200x64xf32, #tpu.memory_space<vmem>>
      %dma_wait3A_342 = arith.constant 128 : i32
      %dma_wait3A_343 = arith.constant 0 : i32
      %dma_wait3A_344 = tpu.memref_slice %dma_wait3A_341[%dma_wait3A_342, %dma_wait3A_343] : memref<200x64xf32, #tpu.memory_space<vmem>> -> memref<72x64xf32, #tpu.memory_space<vmem>>
      %dma_wait3A_345 = arith.constant 728 : i32
      %dma_wait3A_346 = tpu.memref_slice %arg6[%dma_wait3A_345] : memref<800xi32, #tpu.memory_space<vmem>> -> memref<72xi32, #tpu.memory_space<vmem>>
      %dma_wait3A_347 = arith.constant 0 : i32
      %dma_wait3A_348 = arith.constant 0 : i32
      %dma_wait3A_349 = tpu.memref_slice %arg3[%dma_wait3A_347, %dma_wait3A_348] : memref<1000000x64xf32, #tpu.memory_space<hbm>> -> memref<1000000x64xf32, #tpu.memory_space<hbm>>
      tpu.wait_indirect_dma semaphore(%arg11 : memref<!tpu.dma_semaphore, #tpu.memory_space<semaphore_mem>>) src(%dma_wait3A_349 : memref<1000000x64xf32, #tpu.memory_space<hbm>>) dst(%dma_wait3A_344 : memref<72x64xf32, #tpu.memory_space<vmem>>)
      %scan3A_350 = arith.constant 0 : i32
      %scan3A_351 = arith.constant 0 : i32
      %scan3A_352 = arith.constant 200 : i32
      %scan3A_353 = arith.addi %scan3A_351, %scan3A_352 : i32
      %scan3A_354 = arith.constant 1 : i32
      scf.for %scan3A_496 = %scan3A_351 to %scan3A_353 step %scan3A_354  : i32 {
        %get3A = arith.index_cast %scan3A_496 : i32 to index
        %get3A_497 = arith.constant 0 : index
        %get3A_498 = tpu.vector_load %arg10[%get3A, %get3A_497] {strides = array<i32>} : memref<200x64xf32, #tpu.memory_space<vmem>>, vector<1x16xf32>,
        %get3A_499 = vector.shape_cast %get3A_498 : vector<1x16xf32> to vector<16xf32>
        %swap3A = arith.constant 0 : i32
        %swap3A_500 = arith.index_cast %swap3A : i32 to index
        %swap3A_501 = arith.index_cast %scan3A_496 : i32 to index
        %swap3A_502 = arith.constant 0 : index
        %swap3A_503 = tpu.vector_load %arg8[%swap3A_500, %swap3A_501, %swap3A_502] {strides = array<i32>} : memref<4x200x64xf32, #tpu.memory_space<vmem>>, vector<1x1x16xf32>,
        %swap3A_504 = vector.shape_cast %swap3A_503 : vector<1x1x16xf32> to vector<16xf32>
        %swap3A_505 = vector.shape_cast %get3A_499 : vector<16xf32> to vector<1x1x16xf32>
        tpu.vector_store %arg8[%swap3A_500, %swap3A_501, %swap3A_502], %swap3A_505 {add = true, strides = array<i32>} : memref<4x200x64xf32, #tpu.memory_space<vmem>>, vector<1x1x16xf32>,
        %swap3A_506 = arith.constant 1 : i32
        %swap3A_507 = arith.index_cast %swap3A_506 : i32 to index
        %swap3A_508 = arith.index_cast %scan3A_496 : i32 to index
        %swap3A_509 = arith.constant 0 : index
        %swap3A_510 = tpu.vector_load %arg8[%swap3A_507, %swap3A_508, %swap3A_509] {strides = array<i32>} : memref<4x200x64xf32, #tpu.memory_space<vmem>>, vector<1x1x16xf32>,
        %swap3A_511 = vector.shape_cast %swap3A_510 : vector<1x1x16xf32> to vector<16xf32>
        %swap3A_512 = vector.shape_cast %get3A_499 : vector<16xf32> to vector<1x1x16xf32>
        tpu.vector_store %arg8[%swap3A_507, %swap3A_508, %swap3A_509], %swap3A_512 {add = true, strides = array<i32>} : memref<4x200x64xf32, #tpu.memory_space<vmem>>, vector<1x1x16xf32>,
        %swap3A_513 = arith.constant 2 : i32
        %swap3A_514 = arith.index_cast %swap3A_513 : i32 to index
        %swap3A_515 = arith.index_cast %scan3A_496 : i32 to index
        %swap3A_516 = arith.constant 0 : index
        %swap3A_517 = tpu.vector_load %arg8[%swap3A_514, %swap3A_515, %swap3A_516] {strides = array<i32>} : memref<4x200x64xf32, #tpu.memory_space<vmem>>, vector<1x1x16xf32>,
        %swap3A_518 = vector.shape_cast %swap3A_517 : vector<1x1x16xf32> to vector<16xf32>
        %swap3A_519 = vector.shape_cast %get3A_499 : vector<16xf32> to vector<1x1x16xf32>
        tpu.vector_store %arg8[%swap3A_514, %swap3A_515, %swap3A_516], %swap3A_519 {add = true, strides = array<i32>} : memref<4x200x64xf32, #tpu.memory_space<vmem>>, vector<1x1x16xf32>,
        %swap3A_520 = arith.constant 3 : i32
        %swap3A_521 = arith.index_cast %swap3A_520 : i32 to index
        %swap3A_522 = arith.index_cast %scan3A_496 : i32 to index
        %swap3A_523 = arith.constant 0 : index
        %swap3A_524 = tpu.vector_load %arg8[%swap3A_521, %swap3A_522, %swap3A_523] {strides = array<i32>} : memref<4x200x64xf32, #tpu.memory_space<vmem>>, vector<1x1x16xf32>,
        %swap3A_525 = vector.shape_cast %swap3A_524 : vector<1x1x16xf32> to vector<16xf32>
        %swap3A_526 = vector.shape_cast %get3A_499 : vector<16xf32> to vector<1x1x16xf32>
        tpu.vector_store %arg8[%swap3A_521, %swap3A_522, %swap3A_523], %swap3A_526 {add = true, strides = array<i32>} : memref<4x200x64xf32, #tpu.memory_space<vmem>>, vector<1x1x16xf32>,
        %get3A_527 = arith.index_cast %scan3A_496 : i32 to index
        %get3A_528 = arith.constant 16 : index
        %get3A_529 = tpu.vector_load %arg10[%get3A_527, %get3A_528] {strides = array<i32>} : memref<200x64xf32, #tpu.memory_space<vmem>>, vector<1x16xf32>,
        %get3A_530 = vector.shape_cast %get3A_529 : vector<1x16xf32> to vector<16xf32>
        %swap3A_531 = arith.constant 0 : i32
        %swap3A_532 = arith.index_cast %swap3A_531 : i32 to index
        %swap3A_533 = arith.index_cast %scan3A_496 : i32 to index
        %swap3A_534 = arith.constant 16 : index
        %swap3A_535 = tpu.vector_load %arg8[%swap3A_532, %swap3A_533, %swap3A_534] {strides = array<i32>} : memref<4x200x64xf32, #tpu.memory_space<vmem>>, vector<1x1x16xf32>,
        %swap3A_536 = vector.shape_cast %swap3A_535 : vector<1x1x16xf32> to vector<16xf32>
        %swap3A_537 = vector.shape_cast %get3A_530 : vector<16xf32> to vector<1x1x16xf32>
        tpu.vector_store %arg8[%swap3A_532, %swap3A_533, %swap3A_534], %swap3A_537 {add = true, strides = array<i32>} : memref<4x200x64xf32, #tpu.memory_space<vmem>>, vector<1x1x16xf32>,
        %swap3A_538 = arith.constant 1 : i32
        %swap3A_539 = arith.index_cast %swap3A_538 : i32 to index
        %swap3A_540 = arith.index_cast %scan3A_496 : i32 to index
        %swap3A_541 = arith.constant 16 : index
        %swap3A_542 = tpu.vector_load %arg8[%swap3A_539, %swap3A_540, %swap3A_541] {strides = array<i32>} : memref<4x200x64xf32, #tpu.memory_space<vmem>>, vector<1x1x16xf32>,
        %swap3A_543 = vector.shape_cast %swap3A_542 : vector<1x1x16xf32> to vector<16xf32>
        %swap3A_544 = vector.shape_cast %get3A_530 : vector<16xf32> to vector<1x1x16xf32>
        tpu.vector_store %arg8[%swap3A_539, %swap3A_540, %swap3A_541], %swap3A_544 {add = true, strides = array<i32>} : memref<4x200x64xf32, #tpu.memory_space<vmem>>, vector<1x1x16xf32>,
        %swap3A_545 = arith.constant 2 : i32
        %swap3A_546 = arith.index_cast %swap3A_545 : i32 to index
        %swap3A_547 = arith.index_cast %scan3A_496 : i32 to index
        %swap3A_548 = arith.constant 16 : index
        %swap3A_549 = tpu.vector_load %arg8[%swap3A_546, %swap3A_547, %swap3A_548] {strides = array<i32>} : memref<4x200x64xf32, #tpu.memory_space<vmem>>, vector<1x1x16xf32>,
        %swap3A_550 = vector.shape_cast %swap3A_549 : vector<1x1x16xf32> to vector<16xf32>
        %swap3A_551 = vector.shape_cast %get3A_530 : vector<16xf32> to vector<1x1x16xf32>
        tpu.vector_store %arg8[%swap3A_546, %swap3A_547, %swap3A_548], %swap3A_551 {add = true, strides = array<i32>} : memref<4x200x64xf32, #tpu.memory_space<vmem>>, vector<1x1x16xf32>,
        %swap3A_552 = arith.constant 3 : i32
        %swap3A_553 = arith.index_cast %swap3A_552 : i32 to index
        %swap3A_554 = arith.index_cast %scan3A_496 : i32 to index
        %swap3A_555 = arith.constant 16 : index
        %swap3A_556 = tpu.vector_load %arg8[%swap3A_553, %swap3A_554, %swap3A_555] {strides = array<i32>} : memref<4x200x64xf32, #tpu.memory_space<vmem>>, vector<1x1x16xf32>,
        %swap3A_557 = vector.shape_cast %swap3A_556 : vector<1x1x16xf32> to vector<16xf32>
        %swap3A_558 = vector.shape_cast %get3A_530 : vector<16xf32> to vector<1x1x16xf32>
        tpu.vector_store %arg8[%swap3A_553, %swap3A_554, %swap3A_555], %swap3A_558 {add = true, strides = array<i32>} : memref<4x200x64xf32, #tpu.memory_space<vmem>>, vector<1x1x16xf32>,
        %get3A_559 = arith.index_cast %scan3A_496 : i32 to index
        %get3A_560 = arith.constant 32 : index
        %get3A_561 = tpu.vector_load %arg10[%get3A_559, %get3A_560] {strides = array<i32>} : memref<200x64xf32, #tpu.memory_space<vmem>>, vector<1x16xf32>,
        %get3A_562 = vector.shape_cast %get3A_561 : vector<1x16xf32> to vector<16xf32>
        %swap3A_563 = arith.constant 0 : i32
        %swap3A_564 = arith.index_cast %swap3A_563 : i32 to index
        %swap3A_565 = arith.index_cast %scan3A_496 : i32 to index
        %swap3A_566 = arith.constant 32 : index
        %swap3A_567 = tpu.vector_load %arg8[%swap3A_564, %swap3A_565, %swap3A_566] {strides = array<i32>} : memref<4x200x64xf32, #tpu.memory_space<vmem>>, vector<1x1x16xf32>,
        %swap3A_568 = vector.shape_cast %swap3A_567 : vector<1x1x16xf32> to vector<16xf32>
        %swap3A_569 = vector.shape_cast %get3A_562 : vector<16xf32> to vector<1x1x16xf32>
        tpu.vector_store %arg8[%swap3A_564, %swap3A_565, %swap3A_566], %swap3A_569 {add = true, strides = array<i32>} : memref<4x200x64xf32, #tpu.memory_space<vmem>>, vector<1x1x16xf32>,
        %swap3A_570 = arith.constant 1 : i32
        %swap3A_571 = arith.index_cast %swap3A_570 : i32 to index
        %swap3A_572 = arith.index_cast %scan3A_496 : i32 to index
        %swap3A_573 = arith.constant 32 : index
        %swap3A_574 = tpu.vector_load %arg8[%swap3A_571, %swap3A_572, %swap3A_573] {strides = array<i32>} : memref<4x200x64xf32, #tpu.memory_space<vmem>>, vector<1x1x16xf32>,
        %swap3A_575 = vector.shape_cast %swap3A_574 : vector<1x1x16xf32> to vector<16xf32>
        %swap3A_576 = vector.shape_cast %get3A_562 : vector<16xf32> to vector<1x1x16xf32>
        tpu.vector_store %arg8[%swap3A_571, %swap3A_572, %swap3A_573], %swap3A_576 {add = true, strides = array<i32>} : memref<4x200x64xf32, #tpu.memory_space<vmem>>, vector<1x1x16xf32>,
        %swap3A_577 = arith.constant 2 : i32
        %swap3A_578 = arith.index_cast %swap3A_577 : i32 to index
        %swap3A_579 = arith.index_cast %scan3A_496 : i32 to index
        %swap3A_580 = arith.constant 32 : index
        %swap3A_581 = tpu.vector_load %arg8[%swap3A_578, %swap3A_579, %swap3A_580] {strides = array<i32>} : memref<4x200x64xf32, #tpu.memory_space<vmem>>, vector<1x1x16xf32>,
        %swap3A_582 = vector.shape_cast %swap3A_581 : vector<1x1x16xf32> to vector<16xf32>
        %swap3A_583 = vector.shape_cast %get3A_562 : vector<16xf32> to vector<1x1x16xf32>
        tpu.vector_store %arg8[%swap3A_578, %swap3A_579, %swap3A_580], %swap3A_583 {add = true, strides = array<i32>} : memref<4x200x64xf32, #tpu.memory_space<vmem>>, vector<1x1x16xf32>,
        %swap3A_584 = arith.constant 3 : i32
        %swap3A_585 = arith.index_cast %swap3A_584 : i32 to index
        %swap3A_586 = arith.index_cast %scan3A_496 : i32 to index
        %swap3A_587 = arith.constant 32 : index
        %swap3A_588 = tpu.vector_load %arg8[%swap3A_585, %swap3A_586, %swap3A_587] {strides = array<i32>} : memref<4x200x64xf32, #tpu.memory_space<vmem>>, vector<1x1x16xf32>,
        %swap3A_589 = vector.shape_cast %swap3A_588 : vector<1x1x16xf32> to vector<16xf32>
        %swap3A_590 = vector.shape_cast %get3A_562 : vector<16xf32> to vector<1x1x16xf32>
        tpu.vector_store %arg8[%swap3A_585, %swap3A_586, %swap3A_587], %swap3A_590 {add = true, strides = array<i32>} : memref<4x200x64xf32, #tpu.memory_space<vmem>>, vector<1x1x16xf32>,
        %get3A_591 = arith.index_cast %scan3A_496 : i32 to index
        %get3A_592 = arith.constant 48 : index
        %get3A_593 = tpu.vector_load %arg10[%get3A_591, %get3A_592] {strides = array<i32>} : memref<200x64xf32, #tpu.memory_space<vmem>>, vector<1x16xf32>,
        %get3A_594 = vector.shape_cast %get3A_593 : vector<1x16xf32> to vector<16xf32>
        %swap3A_595 = arith.constant 0 : i32
        %swap3A_596 = arith.index_cast %swap3A_595 : i32 to index
        %swap3A_597 = arith.index_cast %scan3A_496 : i32 to index
        %swap3A_598 = arith.constant 48 : index
        %swap3A_599 = tpu.vector_load %arg8[%swap3A_596, %swap3A_597, %swap3A_598] {strides = array<i32>} : memref<4x200x64xf32, #tpu.memory_space<vmem>>, vector<1x1x16xf32>,
        %swap3A_600 = vector.shape_cast %swap3A_599 : vector<1x1x16xf32> to vector<16xf32>
        %swap3A_601 = vector.shape_cast %get3A_594 : vector<16xf32> to vector<1x1x16xf32>
        tpu.vector_store %arg8[%swap3A_596, %swap3A_597, %swap3A_598], %swap3A_601 {add = true, strides = array<i32>} : memref<4x200x64xf32, #tpu.memory_space<vmem>>, vector<1x1x16xf32>,
        %swap3A_602 = arith.constant 1 : i32
        %swap3A_603 = arith.index_cast %swap3A_602 : i32 to index
        %swap3A_604 = arith.index_cast %scan3A_496 : i32 to index
        %swap3A_605 = arith.constant 48 : index
        %swap3A_606 = tpu.vector_load %arg8[%swap3A_603, %swap3A_604, %swap3A_605] {strides = array<i32>} : memref<4x200x64xf32, #tpu.memory_space<vmem>>, vector<1x1x16xf32>,
        %swap3A_607 = vector.shape_cast %swap3A_606 : vector<1x1x16xf32> to vector<16xf32>
        %swap3A_608 = vector.shape_cast %get3A_594 : vector<16xf32> to vector<1x1x16xf32>
        tpu.vector_store %arg8[%swap3A_603, %swap3A_604, %swap3A_605], %swap3A_608 {add = true, strides = array<i32>} : memref<4x200x64xf32, #tpu.memory_space<vmem>>, vector<1x1x16xf32>,
        %swap3A_609 = arith.constant 2 : i32
        %swap3A_610 = arith.index_cast %swap3A_609 : i32 to index
        %swap3A_611 = arith.index_cast %scan3A_496 : i32 to index
        %swap3A_612 = arith.constant 48 : index
        %swap3A_613 = tpu.vector_load %arg8[%swap3A_610, %swap3A_611, %swap3A_612] {strides = array<i32>} : memref<4x200x64xf32, #tpu.memory_space<vmem>>, vector<1x1x16xf32>,
        %swap3A_614 = vector.shape_cast %swap3A_613 : vector<1x1x16xf32> to vector<16xf32>
        %swap3A_615 = vector.shape_cast %get3A_594 : vector<16xf32> to vector<1x1x16xf32>
        tpu.vector_store %arg8[%swap3A_610, %swap3A_611, %swap3A_612], %swap3A_615 {add = true, strides = array<i32>} : memref<4x200x64xf32, #tpu.memory_space<vmem>>, vector<1x1x16xf32>,
        %swap3A_616 = arith.constant 3 : i32
        %swap3A_617 = arith.index_cast %swap3A_616 : i32 to index
        %swap3A_618 = arith.index_cast %scan3A_496 : i32 to index
        %swap3A_619 = arith.constant 48 : index
        %swap3A_620 = tpu.vector_load %arg8[%swap3A_617, %swap3A_618, %swap3A_619] {strides = array<i32>} : memref<4x200x64xf32, #tpu.memory_space<vmem>>, vector<1x1x16xf32>,
        %swap3A_621 = vector.shape_cast %swap3A_620 : vector<1x1x16xf32> to vector<16xf32>
        %swap3A_622 = vector.shape_cast %get3A_594 : vector<16xf32> to vector<1x1x16xf32>
        tpu.vector_store %arg8[%swap3A_617, %swap3A_618, %swap3A_619], %swap3A_622 {add = true, strides = array<i32>} : memref<4x200x64xf32, #tpu.memory_space<vmem>>, vector<1x1x16xf32>,
      }
      %scan3A_355 = arith.constant 200 : i32
      %mul3A_356 = arith.constant 128 : i32
      %mul3A_357 = arith.muli %add3A, %mul3A_356 : i32
      %mul3A_358 = arith.constant 4 : i32
      %mul3A_359 = arith.muli %mul3A_134, %mul3A_358 : i32
      %add3A_360 = arith.addi %mul3A_357, %mul3A_359 : i32
      %dma_start3A_361 = arith.constant 0 : i32
      %dma_start3A_362 = arith.constant 0 : i32
      %dma_start3A_363 = tpu.memref_slice %arg5[%add3A_360, %dma_start3A_361, %dma_start3A_362] : memref<4096x200x128xf32, #tpu.memory_space<hbm>> -> memref<4x200x64xf32, #tpu.memory_space<hbm>>
      %dma_start3A_364 = arith.constant 0 : i32
      %dma_start3A_365 = arith.constant 0 : i32
      %dma_start3A_366 = tpu.memref_slice %arg5[%add3A_360, %dma_start3A_364, %dma_start3A_365] : memref<4096x200x128xf32, #tpu.memory_space<hbm>> -> memref<4x200x64xf32, #tpu.memory_space<hbm>>
      tpu.enqueue_dma source(%arg8 : memref<4x200x64xf32, #tpu.memory_space<vmem>>) target(%dma_start3A_366 : memref<4x200x64xf32, #tpu.memory_space<hbm>>) target_semaphore(%arg13 : memref<!tpu.dma_semaphore, #tpu.memory_space<semaphore_mem>>)
      %add3A_367 = arith.constant 1 : i32
      %add3A_368 = arith.addi %scan3A_132, %add3A_367 : i32
      %lt3A = arith.constant 16 : i32
      %lt3A_369 = arith.cmpi slt, %add3A_368, %lt3A : i32
      %convert_element_type3A_370 = arith.extui %lt3A_369 : i1 to i32
      %cond3A_371 = arith.constant 0 : i32
      %cond3A_372 = arith.cmpi ne, %convert_element_type3A_370, %cond3A_371 : i32
      scf.if %cond3A_372 {
        %mul3A_496 = arith.constant 128 : i32
        %mul3A_497 = arith.muli %add3A, %mul3A_496 : i32
        %mul3A_498 = arith.constant 4 : i32
        %mul3A_499 = arith.muli %mul3A_134, %mul3A_498 : i32
        %add3A_500 = arith.addi %mul3A_497, %mul3A_499 : i32
        %dma_wait3A_501 = arith.constant 0 : i32
        %dma_wait3A_502 = arith.constant 0 : i32
        %dma_wait3A_503 = tpu.memref_slice %arg5[%add3A_500, %dma_wait3A_501, %dma_wait3A_502] : memref<4096x200x128xf32, #tpu.memory_space<hbm>> -> memref<4x200x64xf32, #tpu.memory_space<hbm>>
        %dma_wait3A_504 = arith.constant 0 : i32
        %dma_wait3A_505 = arith.constant 0 : i32
        %dma_wait3A_506 = tpu.memref_slice %arg5[%add3A_500, %dma_wait3A_504, %dma_wait3A_505] : memref<4096x200x128xf32, #tpu.memory_space<hbm>> -> memref<4x200x64xf32, #tpu.memory_space<hbm>>
        tpu.wait_dma2 semaphore(%arg13 : memref<!tpu.dma_semaphore, #tpu.memory_space<semaphore_mem>>) src(%arg8 : memref<4x200x64xf32, #tpu.memory_space<vmem>>) dst(%dma_wait3A_506 : memref<4x200x64xf32, #tpu.memory_space<hbm>>)
        %add3A_507 = arith.constant 2 : i32
        %add3A_508 = arith.addi %mul3A_134, %add3A_507 : i32
        %mul3A_509 = arith.constant 800 : i32
        %mul3A_510 = arith.muli %add3A_508, %mul3A_509 : i32
        %add3A_511 = arith.addi %mul3A_2, %mul3A_510 : i32
        "tpu.region"() ({
          %run_scoped3A = tpu.sem_alloc : memref<!tpu.dma_semaphore, #tpu.memory_space<semaphore_mem>>
          %dma_start3A_616 = tpu.memref_slice %arg2[%add3A_511] : memref<819200xi32, #tpu.memory_space<hbm>> -> memref<800xi32, #tpu.memory_space<hbm>>
          %dma_start3A_617 = tpu.memref_slice %arg2[%add3A_511] : memref<819200xi32, #tpu.memory_space<hbm>> -> memref<800xi32, #tpu.memory_space<hbm>>
          tpu.enqueue_dma source(%dma_start3A_617 : memref<800xi32, #tpu.memory_space<hbm>>) target(%arg6 : memref<800xi32, #tpu.memory_space<vmem>>) target_semaphore(%run_scoped3A : memref<!tpu.dma_semaphore, #tpu.memory_space<semaphore_mem>>)
          %dma_wait3A_618 = tpu.memref_slice %arg2[%add3A_511] : memref<819200xi32, #tpu.memory_space<hbm>> -> memref<800xi32, #tpu.memory_space<hbm>>
          %dma_wait3A_619 = tpu.memref_slice %arg2[%add3A_511] : memref<819200xi32, #tpu.memory_space<hbm>> -> memref<800xi32, #tpu.memory_space<hbm>>
          tpu.wait_dma2 semaphore(%run_scoped3A : memref<!tpu.dma_semaphore, #tpu.memory_space<semaphore_mem>>) src(%dma_wait3A_619 : memref<800xi32, #tpu.memory_space<hbm>>) dst(%arg6 : memref<800xi32, #tpu.memory_space<vmem>>)
          tpu.yield
        }) : () -> ()
        %dma_start3A_512 = arith.constant 0 : i32
        %dma_start3A_513 = arith.constant 0 : i32
        %dma_start3A_514 = arith.constant 0 : i32
        %dma_start3A_515 = tpu.memref_slice %arg8[%dma_start3A_512, %dma_start3A_513, %dma_start3A_514] : memref<4x200x64xf32, #tpu.memory_space<vmem>> -> memref<1x200x64xf32, #tpu.memory_space<vmem>>
        %dma_start3A_516 = tpu.memref_squeeze %dma_start3A_515 : memref<1x200x64xf32, #tpu.memory_space<vmem>> -> memref<200x64xf32, #tpu.memory_space<vmem>>
        %dma_start3A_517 = arith.constant 0 : i32
        %dma_start3A_518 = arith.constant 0 : i32
        %dma_start3A_519 = tpu.memref_slice %dma_start3A_516[%dma_start3A_517, %dma_start3A_518] : memref<200x64xf32, #tpu.memory_space<vmem>> -> memref<128x64xf32, #tpu.memory_space<vmem>>
        %dma_start3A_520 = arith.constant 0 : i32
        %dma_start3A_521 = tpu.memref_slice %arg6[%dma_start3A_520] : memref<800xi32, #tpu.memory_space<vmem>> -> memref<128xi32, #tpu.memory_space<vmem>>
        %dma_start3A_522 = arith.constant 0 : i32
        %dma_start3A_523 = arith.constant 0 : i32
        %dma_start3A_524 = tpu.memref_slice %arg3[%dma_start3A_522, %dma_start3A_523] : memref<1000000x64xf32, #tpu.memory_space<hbm>> -> memref<1000000x64xf32, #tpu.memory_space<hbm>>
        tpu.enqueue_indirect_dma source(%dma_start3A_524 : memref<1000000x64xf32, #tpu.memory_space<hbm>>) target(%dma_start3A_519 : memref<128x64xf32, #tpu.memory_space<vmem>>) offsets(%dma_start3A_521 : memref<128xi32, #tpu.memory_space<vmem>>) semaphore(%arg11 : memref<!tpu.dma_semaphore, #tpu.memory_space<semaphore_mem>>)
        %dma_start3A_525 = arith.constant 0 : i32
        %dma_start3A_526 = arith.constant 0 : i32
        %dma_start3A_527 = arith.constant 0 : i32
        %dma_start3A_528 = tpu.memref_slice %arg8[%dma_start3A_525, %dma_start3A_526, %dma_start3A_527] : memref<4x200x64xf32, #tpu.memory_space<vmem>> -> memref<1x200x64xf32, #tpu.memory_space<vmem>>
        %dma_start3A_529 = tpu.memref_squeeze %dma_start3A_528 : memref<1x200x64xf32, #tpu.memory_space<vmem>> -> memref<200x64xf32, #tpu.memory_space<vmem>>
        %dma_start3A_530 = arith.constant 128 : i32
        %dma_start3A_531 = arith.constant 0 : i32
        %dma_start3A_532 = tpu.memref_slice %dma_start3A_529[%dma_start3A_530, %dma_start3A_531] : memref<200x64xf32, #tpu.memory_space<vmem>> -> memref<72x64xf32, #tpu.memory_space<vmem>>
        %dma_start3A_533 = arith.constant 128 : i32
        %dma_start3A_534 = tpu.memref_slice %arg6[%dma_start3A_533] : memref<800xi32, #tpu.memory_space<vmem>> -> memref<72xi32, #tpu.memory_space<vmem>>
        %dma_start3A_535 = arith.constant 0 : i32
        %dma_start3A_536 = arith.constant 0 : i32
        %dma_start3A_537 = tpu.memref_slice %arg3[%dma_start3A_535, %dma_start3A_536] : memref<1000000x64xf32, #tpu.memory_space<hbm>> -> memref<1000000x64xf32, #tpu.memory_space<hbm>>
        tpu.enqueue_indirect_dma source(%dma_start3A_537 : memref<1000000x64xf32, #tpu.memory_space<hbm>>) target(%dma_start3A_532 : memref<72x64xf32, #tpu.memory_space<vmem>>) offsets(%dma_start3A_534 : memref<72xi32, #tpu.memory_space<vmem>>) semaphore(%arg11 : memref<!tpu.dma_semaphore, #tpu.memory_space<semaphore_mem>>)
        %dma_start3A_538 = arith.constant 1 : i32
        %dma_start3A_539 = arith.constant 0 : i32
        %dma_start3A_540 = arith.constant 0 : i32
        %dma_start3A_541 = tpu.memref_slice %arg8[%dma_start3A_538, %dma_start3A_539, %dma_start3A_540] : memref<4x200x64xf32, #tpu.memory_space<vmem>> -> memref<1x200x64xf32, #tpu.memory_space<vmem>>
        %dma_start3A_542 = tpu.memref_squeeze %dma_start3A_541 : memref<1x200x64xf32, #tpu.memory_space<vmem>> -> memref<200x64xf32, #tpu.memory_space<vmem>>
        %dma_start3A_543 = arith.constant 0 : i32
        %dma_start3A_544 = arith.constant 0 : i32
        %dma_start3A_545 = tpu.memref_slice %dma_start3A_542[%dma_start3A_543, %dma_start3A_544] : memref<200x64xf32, #tpu.memory_space<vmem>> -> memref<128x64xf32, #tpu.memory_space<vmem>>
        %dma_start3A_546 = arith.constant 200 : i32
        %dma_start3A_547 = tpu.memref_slice %arg6[%dma_start3A_546] : memref<800xi32, #tpu.memory_space<vmem>> -> memref<128xi32, #tpu.memory_space<vmem>>
        %dma_start3A_548 = arith.constant 0 : i32
        %dma_start3A_549 = arith.constant 0 : i32
        %dma_start3A_550 = tpu.memref_slice %arg3[%dma_start3A_548, %dma_start3A_549] : memref<1000000x64xf32, #tpu.memory_space<hbm>> -> memref<1000000x64xf32, #tpu.memory_space<hbm>>
        tpu.enqueue_indirect_dma source(%dma_start3A_550 : memref<1000000x64xf32, #tpu.memory_space<hbm>>) target(%dma_start3A_545 : memref<128x64xf32, #tpu.memory_space<vmem>>) offsets(%dma_start3A_547 : memref<128xi32, #tpu.memory_space<vmem>>) semaphore(%arg11 : memref<!tpu.dma_semaphore, #tpu.memory_space<semaphore_mem>>)
        %dma_start3A_551 = arith.constant 1 : i32
        %dma_start3A_552 = arith.constant 0 : i32
        %dma_start3A_553 = arith.constant 0 : i32
        %dma_start3A_554 = tpu.memref_slice %arg8[%dma_start3A_551, %dma_start3A_552, %dma_start3A_553] : memref<4x200x64xf32, #tpu.memory_space<vmem>> -> memref<1x200x64xf32, #tpu.memory_space<vmem>>
        %dma_start3A_555 = tpu.memref_squeeze %dma_start3A_554 : memref<1x200x64xf32, #tpu.memory_space<vmem>> -> memref<200x64xf32, #tpu.memory_space<vmem>>
        %dma_start3A_556 = arith.constant 128 : i32
        %dma_start3A_557 = arith.constant 0 : i32
        %dma_start3A_558 = tpu.memref_slice %dma_start3A_555[%dma_start3A_556, %dma_start3A_557] : memref<200x64xf32, #tpu.memory_space<vmem>> -> memref<72x64xf32, #tpu.memory_space<vmem>>
        %dma_start3A_559 = arith.constant 328 : i32
        %dma_start3A_560 = tpu.memref_slice %arg6[%dma_start3A_559] : memref<800xi32, #tpu.memory_space<vmem>> -> memref<72xi32, #tpu.memory_space<vmem>>
        %dma_start3A_561 = arith.constant 0 : i32
        %dma_start3A_562 = arith.constant 0 : i32
        %dma_start3A_563 = tpu.memref_slice %arg3[%dma_start3A_561, %dma_start3A_562] : memref<1000000x64xf32, #tpu.memory_space<hbm>> -> memref<1000000x64xf32, #tpu.memory_space<hbm>>
        tpu.enqueue_indirect_dma source(%dma_start3A_563 : memref<1000000x64xf32, #tpu.memory_space<hbm>>) target(%dma_start3A_558 : memref<72x64xf32, #tpu.memory_space<vmem>>) offsets(%dma_start3A_560 : memref<72xi32, #tpu.memory_space<vmem>>) semaphore(%arg11 : memref<!tpu.dma_semaphore, #tpu.memory_space<semaphore_mem>>)
        %dma_start3A_564 = arith.constant 2 : i32
        %dma_start3A_565 = arith.constant 0 : i32
        %dma_start3A_566 = arith.constant 0 : i32
        %dma_start3A_567 = tpu.memref_slice %arg8[%dma_start3A_564, %dma_start3A_565, %dma_start3A_566] : memref<4x200x64xf32, #tpu.memory_space<vmem>> -> memref<1x200x64xf32, #tpu.memory_space<vmem>>
        %dma_start3A_568 = tpu.memref_squeeze %dma_start3A_567 : memref<1x200x64xf32, #tpu.memory_space<vmem>> -> memref<200x64xf32, #tpu.memory_space<vmem>>
        %dma_start3A_569 = arith.constant 0 : i32
        %dma_start3A_570 = arith.constant 0 : i32
        %dma_start3A_571 = tpu.memref_slice %dma_start3A_568[%dma_start3A_569, %dma_start3A_570] : memref<200x64xf32, #tpu.memory_space<vmem>> -> memref<128x64xf32, #tpu.memory_space<vmem>>
        %dma_start3A_572 = arith.constant 400 : i32
        %dma_start3A_573 = tpu.memref_slice %arg6[%dma_start3A_572] : memref<800xi32, #tpu.memory_space<vmem>> -> memref<128xi32, #tpu.memory_space<vmem>>
        %dma_start3A_574 = arith.constant 0 : i32
        %dma_start3A_575 = arith.constant 0 : i32
        %dma_start3A_576 = tpu.memref_slice %arg3[%dma_start3A_574, %dma_start3A_575] : memref<1000000x64xf32, #tpu.memory_space<hbm>> -> memref<1000000x64xf32, #tpu.memory_space<hbm>>
        tpu.enqueue_indirect_dma source(%dma_start3A_576 : memref<1000000x64xf32, #tpu.memory_space<hbm>>) target(%dma_start3A_571 : memref<128x64xf32, #tpu.memory_space<vmem>>) offsets(%dma_start3A_573 : memref<128xi32, #tpu.memory_space<vmem>>) semaphore(%arg11 : memref<!tpu.dma_semaphore, #tpu.memory_space<semaphore_mem>>)
        %dma_start3A_577 = arith.constant 2 : i32
        %dma_start3A_578 = arith.constant 0 : i32
        %dma_start3A_579 = arith.constant 0 : i32
        %dma_start3A_580 = tpu.memref_slice %arg8[%dma_start3A_577, %dma_start3A_578, %dma_start3A_579] : memref<4x200x64xf32, #tpu.memory_space<vmem>> -> memref<1x200x64xf32, #tpu.memory_space<vmem>>
        %dma_start3A_581 = tpu.memref_squeeze %dma_start3A_580 : memref<1x200x64xf32, #tpu.memory_space<vmem>> -> memref<200x64xf32, #tpu.memory_space<vmem>>
        %dma_start3A_582 = arith.constant 128 : i32
        %dma_start3A_583 = arith.constant 0 : i32
        %dma_start3A_584 = tpu.memref_slice %dma_start3A_581[%dma_start3A_582, %dma_start3A_583] : memref<200x64xf32, #tpu.memory_space<vmem>> -> memref<72x64xf32, #tpu.memory_space<vmem>>
        %dma_start3A_585 = arith.constant 528 : i32
        %dma_start3A_586 = tpu.memref_slice %arg6[%dma_start3A_585] : memref<800xi32, #tpu.memory_space<vmem>> -> memref<72xi32, #tpu.memory_space<vmem>>
        %dma_start3A_587 = arith.constant 0 : i32
        %dma_start3A_588 = arith.constant 0 : i32
        %dma_start3A_589 = tpu.memref_slice %arg3[%dma_start3A_587, %dma_start3A_588] : memref<1000000x64xf32, #tpu.memory_space<hbm>> -> memref<1000000x64xf32, #tpu.memory_space<hbm>>
        tpu.enqueue_indirect_dma source(%dma_start3A_589 : memref<1000000x64xf32, #tpu.memory_space<hbm>>) target(%dma_start3A_584 : memref<72x64xf32, #tpu.memory_space<vmem>>) offsets(%dma_start3A_586 : memref<72xi32, #tpu.memory_space<vmem>>) semaphore(%arg11 : memref<!tpu.dma_semaphore, #tpu.memory_space<semaphore_mem>>)
        %dma_start3A_590 = arith.constant 3 : i32
        %dma_start3A_591 = arith.constant 0 : i32
        %dma_start3A_592 = arith.constant 0 : i32
        %dma_start3A_593 = tpu.memref_slice %arg8[%dma_start3A_590, %dma_start3A_591, %dma_start3A_592] : memref<4x200x64xf32, #tpu.memory_space<vmem>> -> memref<1x200x64xf32, #tpu.memory_space<vmem>>
        %dma_start3A_594 = tpu.memref_squeeze %dma_start3A_593 : memref<1x200x64xf32, #tpu.memory_space<vmem>> -> memref<200x64xf32, #tpu.memory_space<vmem>>
        %dma_start3A_595 = arith.constant 0 : i32
        %dma_start3A_596 = arith.constant 0 : i32
        %dma_start3A_597 = tpu.memref_slice %dma_start3A_594[%dma_start3A_595, %dma_start3A_596] : memref<200x64xf32, #tpu.memory_space<vmem>> -> memref<128x64xf32, #tpu.memory_space<vmem>>
        %dma_start3A_598 = arith.constant 600 : i32
        %dma_start3A_599 = tpu.memref_slice %arg6[%dma_start3A_598] : memref<800xi32, #tpu.memory_space<vmem>> -> memref<128xi32, #tpu.memory_space<vmem>>
        %dma_start3A_600 = arith.constant 0 : i32
        %dma_start3A_601 = arith.constant 0 : i32
        %dma_start3A_602 = tpu.memref_slice %arg3[%dma_start3A_600, %dma_start3A_601] : memref<1000000x64xf32, #tpu.memory_space<hbm>> -> memref<1000000x64xf32, #tpu.memory_space<hbm>>
        tpu.enqueue_indirect_dma source(%dma_start3A_602 : memref<1000000x64xf32, #tpu.memory_space<hbm>>) target(%dma_start3A_597 : memref<128x64xf32, #tpu.memory_space<vmem>>) offsets(%dma_start3A_599 : memref<128xi32, #tpu.memory_space<vmem>>) semaphore(%arg11 : memref<!tpu.dma_semaphore, #tpu.memory_space<semaphore_mem>>)
        %dma_start3A_603 = arith.constant 3 : i32
        %dma_start3A_604 = arith.constant 0 : i32
        %dma_start3A_605 = arith.constant 0 : i32
        %dma_start3A_606 = tpu.memref_slice %arg8[%dma_start3A_603, %dma_start3A_604, %dma_start3A_605] : memref<4x200x64xf32, #tpu.memory_space<vmem>> -> memref<1x200x64xf32, #tpu.memory_space<vmem>>
        %dma_start3A_607 = tpu.memref_squeeze %dma_start3A_606 : memref<1x200x64xf32, #tpu.memory_space<vmem>> -> memref<200x64xf32, #tpu.memory_space<vmem>>
        %dma_start3A_608 = arith.constant 128 : i32
        %dma_start3A_609 = arith.constant 0 : i32
        %dma_start3A_610 = tpu.memref_slice %dma_start3A_607[%dma_start3A_608, %dma_start3A_609] : memref<200x64xf32, #tpu.memory_space<vmem>> -> memref<72x64xf32, #tpu.memory_space<vmem>>
        %dma_start3A_611 = arith.constant 728 : i32
        %dma_start3A_612 = tpu.memref_slice %arg6[%dma_start3A_611] : memref<800xi32, #tpu.memory_space<vmem>> -> memref<72xi32, #tpu.memory_space<vmem>>
        %dma_start3A_613 = arith.constant 0 : i32
        %dma_start3A_614 = arith.constant 0 : i32
        %dma_start3A_615 = tpu.memref_slice %arg3[%dma_start3A_613, %dma_start3A_614] : memref<1000000x64xf32, #tpu.memory_space<hbm>> -> memref<1000000x64xf32, #tpu.memory_space<hbm>>
        tpu.enqueue_indirect_dma source(%dma_start3A_615 : memref<1000000x64xf32, #tpu.memory_space<hbm>>) target(%dma_start3A_610 : memref<72x64xf32, #tpu.memory_space<vmem>>) offsets(%dma_start3A_612 : memref<72xi32, #tpu.memory_space<vmem>>) semaphore(%arg11 : memref<!tpu.dma_semaphore, #tpu.memory_space<semaphore_mem>>)
      } else {
      }
      %dma_wait3A_373 = arith.constant 0 : i32
      %dma_wait3A_374 = arith.constant 0 : i32
      %dma_wait3A_375 = arith.constant 0 : i32
      %dma_wait3A_376 = tpu.memref_slice %arg9[%dma_wait3A_373, %dma_wait3A_374, %dma_wait3A_375] : memref<4x200x64xf32, #tpu.memory_space<vmem>> -> memref<1x200x64xf32, #tpu.memory_space<vmem>>
      %dma_wait3A_377 = tpu.memref_squeeze %dma_wait3A_376 : memref<1x200x64xf32, #tpu.memory_space<vmem>> -> memref<200x64xf32, #tpu.memory_space<vmem>>
      %dma_wait3A_378 = arith.constant 0 : i32
      %dma_wait3A_379 = arith.constant 0 : i32
      %dma_wait3A_380 = tpu.memref_slice %dma_wait3A_377[%dma_wait3A_378, %dma_wait3A_379] : memref<200x64xf32, #tpu.memory_space<vmem>> -> memref<128x64xf32, #tpu.memory_space<vmem>>
      %dma_wait3A_381 = arith.constant 0 : i32
      %dma_wait3A_382 = tpu.memref_slice %arg7[%dma_wait3A_381] : memref<800xi32, #tpu.memory_space<vmem>> -> memref<128xi32, #tpu.memory_space<vmem>>
      %dma_wait3A_383 = arith.constant 0 : i32
      %dma_wait3A_384 = arith.constant 0 : i32
      %dma_wait3A_385 = tpu.memref_slice %arg3[%dma_wait3A_383, %dma_wait3A_384] : memref<1000000x64xf32, #tpu.memory_space<hbm>> -> memref<1000000x64xf32, #tpu.memory_space<hbm>>
      tpu.wait_indirect_dma semaphore(%arg12 : memref<!tpu.dma_semaphore, #tpu.memory_space<semaphore_mem>>) src(%dma_wait3A_385 : memref<1000000x64xf32, #tpu.memory_space<hbm>>) dst(%dma_wait3A_380 : memref<128x64xf32, #tpu.memory_space<vmem>>)
      %dma_wait3A_386 = arith.constant 0 : i32
      %dma_wait3A_387 = arith.constant 0 : i32
      %dma_wait3A_388 = arith.constant 0 : i32
      %dma_wait3A_389 = tpu.memref_slice %arg9[%dma_wait3A_386, %dma_wait3A_387, %dma_wait3A_388] : memref<4x200x64xf32, #tpu.memory_space<vmem>> -> memref<1x200x64xf32, #tpu.memory_space<vmem>>
      %dma_wait3A_390 = tpu.memref_squeeze %dma_wait3A_389 : memref<1x200x64xf32, #tpu.memory_space<vmem>> -> memref<200x64xf32, #tpu.memory_space<vmem>>
      %dma_wait3A_391 = arith.constant 128 : i32
      %dma_wait3A_392 = arith.constant 0 : i32
      %dma_wait3A_393 = tpu.memref_slice %dma_wait3A_390[%dma_wait3A_391, %dma_wait3A_392] : memref<200x64xf32, #tpu.memory_space<vmem>> -> memref<72x64xf32, #tpu.memory_space<vmem>>
      %dma_wait3A_394 = arith.constant 128 : i32
      %dma_wait3A_395 = tpu.memref_slice %arg7[%dma_wait3A_394] : memref<800xi32, #tpu.memory_space<vmem>> -> memref<72xi32, #tpu.memory_space<vmem>>
      %dma_wait3A_396 = arith.constant 0 : i32
      %dma_wait3A_397 = arith.constant 0 : i32
      %dma_wait3A_398 = tpu.memref_slice %arg3[%dma_wait3A_396, %dma_wait3A_397] : memref<1000000x64xf32, #tpu.memory_space<hbm>> -> memref<1000000x64xf32, #tpu.memory_space<hbm>>
      tpu.wait_indirect_dma semaphore(%arg12 : memref<!tpu.dma_semaphore, #tpu.memory_space<semaphore_mem>>) src(%dma_wait3A_398 : memref<1000000x64xf32, #tpu.memory_space<hbm>>) dst(%dma_wait3A_393 : memref<72x64xf32, #tpu.memory_space<vmem>>)
      %dma_wait3A_399 = arith.constant 1 : i32
      %dma_wait3A_400 = arith.constant 0 : i32
      %dma_wait3A_401 = arith.constant 0 : i32
      %dma_wait3A_402 = tpu.memref_slice %arg9[%dma_wait3A_399, %dma_wait3A_400, %dma_wait3A_401] : memref<4x200x64xf32, #tpu.memory_space<vmem>> -> memref<1x200x64xf32, #tpu.memory_space<vmem>>
      %dma_wait3A_403 = tpu.memref_squeeze %dma_wait3A_402 : memref<1x200x64xf32, #tpu.memory_space<vmem>> -> memref<200x64xf32, #tpu.memory_space<vmem>>
      %dma_wait3A_404 = arith.constant 0 : i32
      %dma_wait3A_405 = arith.constant 0 : i32
      %dma_wait3A_406 = tpu.memref_slice %dma_wait3A_403[%dma_wait3A_404, %dma_wait3A_405] : memref<200x64xf32, #tpu.memory_space<vmem>> -> memref<128x64xf32, #tpu.memory_space<vmem>>
      %dma_wait3A_407 = arith.constant 200 : i32
      %dma_wait3A_408 = tpu.memref_slice %arg7[%dma_wait3A_407] : memref<800xi32, #tpu.memory_space<vmem>> -> memref<128xi32, #tpu.memory_space<vmem>>
      %dma_wait3A_409 = arith.constant 0 : i32
      %dma_wait3A_410 = arith.constant 0 : i32
      %dma_wait3A_411 = tpu.memref_slice %arg3[%dma_wait3A_409, %dma_wait3A_410] : memref<1000000x64xf32, #tpu.memory_space<hbm>> -> memref<1000000x64xf32, #tpu.memory_space<hbm>>
      tpu.wait_indirect_dma semaphore(%arg12 : memref<!tpu.dma_semaphore, #tpu.memory_space<semaphore_mem>>) src(%dma_wait3A_411 : memref<1000000x64xf32, #tpu.memory_space<hbm>>) dst(%dma_wait3A_406 : memref<128x64xf32, #tpu.memory_space<vmem>>)
      %dma_wait3A_412 = arith.constant 1 : i32
      %dma_wait3A_413 = arith.constant 0 : i32
      %dma_wait3A_414 = arith.constant 0 : i32
      %dma_wait3A_415 = tpu.memref_slice %arg9[%dma_wait3A_412, %dma_wait3A_413, %dma_wait3A_414] : memref<4x200x64xf32, #tpu.memory_space<vmem>> -> memref<1x200x64xf32, #tpu.memory_space<vmem>>
      %dma_wait3A_416 = tpu.memref_squeeze %dma_wait3A_415 : memref<1x200x64xf32, #tpu.memory_space<vmem>> -> memref<200x64xf32, #tpu.memory_space<vmem>>
      %dma_wait3A_417 = arith.constant 128 : i32
      %dma_wait3A_418 = arith.constant 0 : i32
      %dma_wait3A_419 = tpu.memref_slice %dma_wait3A_416[%dma_wait3A_417, %dma_wait3A_418] : memref<200x64xf32, #tpu.memory_space<vmem>> -> memref<72x64xf32, #tpu.memory_space<vmem>>
      %dma_wait3A_420 = arith.constant 328 : i32
      %dma_wait3A_421 = tpu.memref_slice %arg7[%dma_wait3A_420] : memref<800xi32, #tpu.memory_space<vmem>> -> memref<72xi32, #tpu.memory_space<vmem>>
      %dma_wait3A_422 = arith.constant 0 : i32
      %dma_wait3A_423 = arith.constant 0 : i32
      %dma_wait3A_424 = tpu.memref_slice %arg3[%dma_wait3A_422, %dma_wait3A_423] : memref<1000000x64xf32, #tpu.memory_space<hbm>> -> memref<1000000x64xf32, #tpu.memory_space<hbm>>
      tpu.wait_indirect_dma semaphore(%arg12 : memref<!tpu.dma_semaphore, #tpu.memory_space<semaphore_mem>>) src(%dma_wait3A_424 : memref<1000000x64xf32, #tpu.memory_space<hbm>>) dst(%dma_wait3A_419 : memref<72x64xf32, #tpu.memory_space<vmem>>)
      %dma_wait3A_425 = arith.constant 2 : i32
      %dma_wait3A_426 = arith.constant 0 : i32
      %dma_wait3A_427 = arith.constant 0 : i32
      %dma_wait3A_428 = tpu.memref_slice %arg9[%dma_wait3A_425, %dma_wait3A_426, %dma_wait3A_427] : memref<4x200x64xf32, #tpu.memory_space<vmem>> -> memref<1x200x64xf32, #tpu.memory_space<vmem>>
      %dma_wait3A_429 = tpu.memref_squeeze %dma_wait3A_428 : memref<1x200x64xf32, #tpu.memory_space<vmem>> -> memref<200x64xf32, #tpu.memory_space<vmem>>
      %dma_wait3A_430 = arith.constant 0 : i32
      %dma_wait3A_431 = arith.constant 0 : i32
      %dma_wait3A_432 = tpu.memref_slice %dma_wait3A_429[%dma_wait3A_430, %dma_wait3A_431] : memref<200x64xf32, #tpu.memory_space<vmem>> -> memref<128x64xf32, #tpu.memory_space<vmem>>
      %dma_wait3A_433 = arith.constant 400 : i32
      %dma_wait3A_434 = tpu.memref_slice %arg7[%dma_wait3A_433] : memref<800xi32, #tpu.memory_space<vmem>> -> memref<128xi32, #tpu.memory_space<vmem>>
      %dma_wait3A_435 = arith.constant 0 : i32
      %dma_wait3A_436 = arith.constant 0 : i32
      %dma_wait3A_437 = tpu.memref_slice %arg3[%dma_wait3A_435, %dma_wait3A_436] : memref<1000000x64xf32, #tpu.memory_space<hbm>> -> memref<1000000x64xf32, #tpu.memory_space<hbm>>
      tpu.wait_indirect_dma semaphore(%arg12 : memref<!tpu.dma_semaphore, #tpu.memory_space<semaphore_mem>>) src(%dma_wait3A_437 : memref<1000000x64xf32, #tpu.memory_space<hbm>>) dst(%dma_wait3A_432 : memref<128x64xf32, #tpu.memory_space<vmem>>)
      %dma_wait3A_438 = arith.constant 2 : i32
      %dma_wait3A_439 = arith.constant 0 : i32
      %dma_wait3A_440 = arith.constant 0 : i32
      %dma_wait3A_441 = tpu.memref_slice %arg9[%dma_wait3A_438, %dma_wait3A_439, %dma_wait3A_440] : memref<4x200x64xf32, #tpu.memory_space<vmem>> -> memref<1x200x64xf32, #tpu.memory_space<vmem>>
      %dma_wait3A_442 = tpu.memref_squeeze %dma_wait3A_441 : memref<1x200x64xf32, #tpu.memory_space<vmem>> -> memref<200x64xf32, #tpu.memory_space<vmem>>
      %dma_wait3A_443 = arith.constant 128 : i32
      %dma_wait3A_444 = arith.constant 0 : i32
      %dma_wait3A_445 = tpu.memref_slice %dma_wait3A_442[%dma_wait3A_443, %dma_wait3A_444] : memref<200x64xf32, #tpu.memory_space<vmem>> -> memref<72x64xf32, #tpu.memory_space<vmem>>
      %dma_wait3A_446 = arith.constant 528 : i32
      %dma_wait3A_447 = tpu.memref_slice %arg7[%dma_wait3A_446] : memref<800xi32, #tpu.memory_space<vmem>> -> memref<72xi32, #tpu.memory_space<vmem>>
      %dma_wait3A_448 = arith.constant 0 : i32
      %dma_wait3A_449 = arith.constant 0 : i32
      %dma_wait3A_450 = tpu.memref_slice %arg3[%dma_wait3A_448, %dma_wait3A_449] : memref<1000000x64xf32, #tpu.memory_space<hbm>> -> memref<1000000x64xf32, #tpu.memory_space<hbm>>
      tpu.wait_indirect_dma semaphore(%arg12 : memref<!tpu.dma_semaphore, #tpu.memory_space<semaphore_mem>>) src(%dma_wait3A_450 : memref<1000000x64xf32, #tpu.memory_space<hbm>>) dst(%dma_wait3A_445 : memref<72x64xf32, #tpu.memory_space<vmem>>)
      %dma_wait3A_451 = arith.constant 3 : i32
      %dma_wait3A_452 = arith.constant 0 : i32
      %dma_wait3A_453 = arith.constant 0 : i32
      %dma_wait3A_454 = tpu.memref_slice %arg9[%dma_wait3A_451, %dma_wait3A_452, %dma_wait3A_453] : memref<4x200x64xf32, #tpu.memory_space<vmem>> -> memref<1x200x64xf32, #tpu.memory_space<vmem>>
      %dma_wait3A_455 = tpu.memref_squeeze %dma_wait3A_454 : memref<1x200x64xf32, #tpu.memory_space<vmem>> -> memref<200x64xf32, #tpu.memory_space<vmem>>
      %dma_wait3A_456 = arith.constant 0 : i32
      %dma_wait3A_457 = arith.constant 0 : i32
      %dma_wait3A_458 = tpu.memref_slice %dma_wait3A_455[%dma_wait3A_456, %dma_wait3A_457] : memref<200x64xf32, #tpu.memory_space<vmem>> -> memref<128x64xf32, #tpu.memory_space<vmem>>
      %dma_wait3A_459 = arith.constant 600 : i32
      %dma_wait3A_460 = tpu.memref_slice %arg7[%dma_wait3A_459] : memref<800xi32, #tpu.memory_space<vmem>> -> memref<128xi32, #tpu.memory_space<vmem>>
      %dma_wait3A_461 = arith.constant 0 : i32
      %dma_wait3A_462 = arith.constant 0 : i32
      %dma_wait3A_463 = tpu.memref_slice %arg3[%dma_wait3A_461, %dma_wait3A_462] : memref<1000000x64xf32, #tpu.memory_space<hbm>> -> memref<1000000x64xf32, #tpu.memory_space<hbm>>
      tpu.wait_indirect_dma semaphore(%arg12 : memref<!tpu.dma_semaphore, #tpu.memory_space<semaphore_mem>>) src(%dma_wait3A_463 : memref<1000000x64xf32, #tpu.memory_space<hbm>>) dst(%dma_wait3A_458 : memref<128x64xf32, #tpu.memory_space<vmem>>)
      %dma_wait3A_464 = arith.constant 3 : i32
      %dma_wait3A_465 = arith.constant 0 : i32
      %dma_wait3A_466 = arith.constant 0 : i32
      %dma_wait3A_467 = tpu.memref_slice %arg9[%dma_wait3A_464, %dma_wait3A_465, %dma_wait3A_466] : memref<4x200x64xf32, #tpu.memory_space<vmem>> -> memref<1x200x64xf32, #tpu.memory_space<vmem>>
      %dma_wait3A_468 = tpu.memref_squeeze %dma_wait3A_467 : memref<1x200x64xf32, #tpu.memory_space<vmem>> -> memref<200x64xf32, #tpu.memory_space<vmem>>
      %dma_wait3A_469 = arith.constant 128 : i32
      %dma_wait3A_470 = arith.constant 0 : i32
      %dma_wait3A_471 = tpu.memref_slice %dma_wait3A_468[%dma_wait3A_469, %dma_wait3A_470] : memref<200x64xf32, #tpu.memory_space<vmem>> -> memref<72x64xf32, #tpu.memory_space<vmem>>
      %dma_wait3A_472 = arith.constant 728 : i32
      %dma_wait3A_473 = tpu.memref_slice %arg7[%dma_wait3A_472] : memref<800xi32, #tpu.memory_space<vmem>> -> memref<72xi32, #tpu.memory_space<vmem>>
      %dma_wait3A_474 = arith.constant 0 : i32
      %dma_wait3A_475 = arith.constant 0 : i32
      %dma_wait3A_476 = tpu.memref_slice %arg3[%dma_wait3A_474, %dma_wait3A_475] : memref<1000000x64xf32, #tpu.memory_space<hbm>> -> memref<1000000x64xf32, #tpu.memory_space<hbm>>
      tpu.wait_indirect_dma semaphore(%arg12 : memref<!tpu.dma_semaphore, #tpu.memory_space<semaphore_mem>>) src(%dma_wait3A_476 : memref<1000000x64xf32, #tpu.memory_space<hbm>>) dst(%dma_wait3A_471 : memref<72x64xf32, #tpu.memory_space<vmem>>)
      %scan3A_477 = arith.constant 0 : i32
      %scan3A_478 = arith.constant 0 : i32
      %scan3A_479 = arith.constant 200 : i32
      %scan3A_480 = arith.addi %scan3A_478, %scan3A_479 : i32
      %scan3A_481 = arith.constant 1 : i32
      scf.for %scan3A_496 = %scan3A_478 to %scan3A_480 step %scan3A_481  : i32 {
        %get3A = arith.index_cast %scan3A_496 : i32 to index
        %get3A_497 = arith.constant 0 : index
        %get3A_498 = tpu.vector_load %arg10[%get3A, %get3A_497] {strides = array<i32>} : memref<200x64xf32, #tpu.memory_space<vmem>>, vector<1x16xf32>,
        %get3A_499 = vector.shape_cast %get3A_498 : vector<1x16xf32> to vector<16xf32>
        %swap3A = arith.constant 0 : i32
        %swap3A_500 = arith.index_cast %swap3A : i32 to index
        %swap3A_501 = arith.index_cast %scan3A_496 : i32 to index
        %swap3A_502 = arith.constant 0 : index
        %swap3A_503 = tpu.vector_load %arg9[%swap3A_500, %swap3A_501, %swap3A_502] {strides = array<i32>} : memref<4x200x64xf32, #tpu.memory_space<vmem>>, vector<1x1x16xf32>,
        %swap3A_504 = vector.shape_cast %swap3A_503 : vector<1x1x16xf32> to vector<16xf32>
        %swap3A_505 = vector.shape_cast %get3A_499 : vector<16xf32> to vector<1x1x16xf32>
        tpu.vector_store %arg9[%swap3A_500, %swap3A_501, %swap3A_502], %swap3A_505 {add = true, strides = array<i32>} : memref<4x200x64xf32, #tpu.memory_space<vmem>>, vector<1x1x16xf32>,
        %swap3A_506 = arith.constant 1 : i32
        %swap3A_507 = arith.index_cast %swap3A_506 : i32 to index
        %swap3A_508 = arith.index_cast %scan3A_496 : i32 to index
        %swap3A_509 = arith.constant 0 : index
        %swap3A_510 = tpu.vector_load %arg9[%swap3A_507, %swap3A_508, %swap3A_509] {strides = array<i32>} : memref<4x200x64xf32, #tpu.memory_space<vmem>>, vector<1x1x16xf32>,
        %swap3A_511 = vector.shape_cast %swap3A_510 : vector<1x1x16xf32> to vector<16xf32>
        %swap3A_512 = vector.shape_cast %get3A_499 : vector<16xf32> to vector<1x1x16xf32>
        tpu.vector_store %arg9[%swap3A_507, %swap3A_508, %swap3A_509], %swap3A_512 {add = true, strides = array<i32>} : memref<4x200x64xf32, #tpu.memory_space<vmem>>, vector<1x1x16xf32>,
        %swap3A_513 = arith.constant 2 : i32
        %swap3A_514 = arith.index_cast %swap3A_513 : i32 to index
        %swap3A_515 = arith.index_cast %scan3A_496 : i32 to index
        %swap3A_516 = arith.constant 0 : index
        %swap3A_517 = tpu.vector_load %arg9[%swap3A_514, %swap3A_515, %swap3A_516] {strides = array<i32>} : memref<4x200x64xf32, #tpu.memory_space<vmem>>, vector<1x1x16xf32>,
        %swap3A_518 = vector.shape_cast %swap3A_517 : vector<1x1x16xf32> to vector<16xf32>
        %swap3A_519 = vector.shape_cast %get3A_499 : vector<16xf32> to vector<1x1x16xf32>
        tpu.vector_store %arg9[%swap3A_514, %swap3A_515, %swap3A_516], %swap3A_519 {add = true, strides = array<i32>} : memref<4x200x64xf32, #tpu.memory_space<vmem>>, vector<1x1x16xf32>,
        %swap3A_520 = arith.constant 3 : i32
        %swap3A_521 = arith.index_cast %swap3A_520 : i32 to index
        %swap3A_522 = arith.index_cast %scan3A_496 : i32 to index
        %swap3A_523 = arith.constant 0 : index
        %swap3A_524 = tpu.vector_load %arg9[%swap3A_521, %swap3A_522, %swap3A_523] {strides = array<i32>} : memref<4x200x64xf32, #tpu.memory_space<vmem>>, vector<1x1x16xf32>,
        %swap3A_525 = vector.shape_cast %swap3A_524 : vector<1x1x16xf32> to vector<16xf32>
        %swap3A_526 = vector.shape_cast %get3A_499 : vector<16xf32> to vector<1x1x16xf32>
        tpu.vector_store %arg9[%swap3A_521, %swap3A_522, %swap3A_523], %swap3A_526 {add = true, strides = array<i32>} : memref<4x200x64xf32, #tpu.memory_space<vmem>>, vector<1x1x16xf32>,
        %get3A_527 = arith.index_cast %scan3A_496 : i32 to index
        %get3A_528 = arith.constant 16 : index
        %get3A_529 = tpu.vector_load %arg10[%get3A_527, %get3A_528] {strides = array<i32>} : memref<200x64xf32, #tpu.memory_space<vmem>>, vector<1x16xf32>,
        %get3A_530 = vector.shape_cast %get3A_529 : vector<1x16xf32> to vector<16xf32>
        %swap3A_531 = arith.constant 0 : i32
        %swap3A_532 = arith.index_cast %swap3A_531 : i32 to index
        %swap3A_533 = arith.index_cast %scan3A_496 : i32 to index
        %swap3A_534 = arith.constant 16 : index
        %swap3A_535 = tpu.vector_load %arg9[%swap3A_532, %swap3A_533, %swap3A_534] {strides = array<i32>} : memref<4x200x64xf32, #tpu.memory_space<vmem>>, vector<1x1x16xf32>,
        %swap3A_536 = vector.shape_cast %swap3A_535 : vector<1x1x16xf32> to vector<16xf32>
        %swap3A_537 = vector.shape_cast %get3A_530 : vector<16xf32> to vector<1x1x16xf32>
        tpu.vector_store %arg9[%swap3A_532, %swap3A_533, %swap3A_534], %swap3A_537 {add = true, strides = array<i32>} : memref<4x200x64xf32, #tpu.memory_space<vmem>>, vector<1x1x16xf32>,
        %swap3A_538 = arith.constant 1 : i32
        %swap3A_539 = arith.index_cast %swap3A_538 : i32 to index
        %swap3A_540 = arith.index_cast %scan3A_496 : i32 to index
        %swap3A_541 = arith.constant 16 : index
        %swap3A_542 = tpu.vector_load %arg9[%swap3A_539, %swap3A_540, %swap3A_541] {strides = array<i32>} : memref<4x200x64xf32, #tpu.memory_space<vmem>>, vector<1x1x16xf32>,
        %swap3A_543 = vector.shape_cast %swap3A_542 : vector<1x1x16xf32> to vector<16xf32>
        %swap3A_544 = vector.shape_cast %get3A_530 : vector<16xf32> to vector<1x1x16xf32>
        tpu.vector_store %arg9[%swap3A_539, %swap3A_540, %swap3A_541], %swap3A_544 {add = true, strides = array<i32>} : memref<4x200x64xf32, #tpu.memory_space<vmem>>, vector<1x1x16xf32>,
        %swap3A_545 = arith.constant 2 : i32
        %swap3A_546 = arith.index_cast %swap3A_545 : i32 to index
        %swap3A_547 = arith.index_cast %scan3A_496 : i32 to index
        %swap3A_548 = arith.constant 16 : index
        %swap3A_549 = tpu.vector_load %arg9[%swap3A_546, %swap3A_547, %swap3A_548] {strides = array<i32>} : memref<4x200x64xf32, #tpu.memory_space<vmem>>, vector<1x1x16xf32>,
        %swap3A_550 = vector.shape_cast %swap3A_549 : vector<1x1x16xf32> to vector<16xf32>
        %swap3A_551 = vector.shape_cast %get3A_530 : vector<16xf32> to vector<1x1x16xf32>
        tpu.vector_store %arg9[%swap3A_546, %swap3A_547, %swap3A_548], %swap3A_551 {add = true, strides = array<i32>} : memref<4x200x64xf32, #tpu.memory_space<vmem>>, vector<1x1x16xf32>,
        %swap3A_552 = arith.constant 3 : i32
        %swap3A_553 = arith.index_cast %swap3A_552 : i32 to index
        %swap3A_554 = arith.index_cast %scan3A_496 : i32 to index
        %swap3A_555 = arith.constant 16 : index
        %swap3A_556 = tpu.vector_load %arg9[%swap3A_553, %swap3A_554, %swap3A_555] {strides = array<i32>} : memref<4x200x64xf32, #tpu.memory_space<vmem>>, vector<1x1x16xf32>,
        %swap3A_557 = vector.shape_cast %swap3A_556 : vector<1x1x16xf32> to vector<16xf32>
        %swap3A_558 = vector.shape_cast %get3A_530 : vector<16xf32> to vector<1x1x16xf32>
        tpu.vector_store %arg9[%swap3A_553, %swap3A_554, %swap3A_555], %swap3A_558 {add = true, strides = array<i32>} : memref<4x200x64xf32, #tpu.memory_space<vmem>>, vector<1x1x16xf32>,
        %get3A_559 = arith.index_cast %scan3A_496 : i32 to index
        %get3A_560 = arith.constant 32 : index
        %get3A_561 = tpu.vector_load %arg10[%get3A_559, %get3A_560] {strides = array<i32>} : memref<200x64xf32, #tpu.memory_space<vmem>>, vector<1x16xf32>,
        %get3A_562 = vector.shape_cast %get3A_561 : vector<1x16xf32> to vector<16xf32>
        %swap3A_563 = arith.constant 0 : i32
        %swap3A_564 = arith.index_cast %swap3A_563 : i32 to index
        %swap3A_565 = arith.index_cast %scan3A_496 : i32 to index
        %swap3A_566 = arith.constant 32 : index
        %swap3A_567 = tpu.vector_load %arg9[%swap3A_564, %swap3A_565, %swap3A_566] {strides = array<i32>} : memref<4x200x64xf32, #tpu.memory_space<vmem>>, vector<1x1x16xf32>,
        %swap3A_568 = vector.shape_cast %swap3A_567 : vector<1x1x16xf32> to vector<16xf32>
        %swap3A_569 = vector.shape_cast %get3A_562 : vector<16xf32> to vector<1x1x16xf32>
        tpu.vector_store %arg9[%swap3A_564, %swap3A_565, %swap3A_566], %swap3A_569 {add = true, strides = array<i32>} : memref<4x200x64xf32, #tpu.memory_space<vmem>>, vector<1x1x16xf32>,
        %swap3A_570 = arith.constant 1 : i32
        %swap3A_571 = arith.index_cast %swap3A_570 : i32 to index
        %swap3A_572 = arith.index_cast %scan3A_496 : i32 to index
        %swap3A_573 = arith.constant 32 : index
        %swap3A_574 = tpu.vector_load %arg9[%swap3A_571, %swap3A_572, %swap3A_573] {strides = array<i32>} : memref<4x200x64xf32, #tpu.memory_space<vmem>>, vector<1x1x16xf32>,
        %swap3A_575 = vector.shape_cast %swap3A_574 : vector<1x1x16xf32> to vector<16xf32>
        %swap3A_576 = vector.shape_cast %get3A_562 : vector<16xf32> to vector<1x1x16xf32>
        tpu.vector_store %arg9[%swap3A_571, %swap3A_572, %swap3A_573], %swap3A_576 {add = true, strides = array<i32>} : memref<4x200x64xf32, #tpu.memory_space<vmem>>, vector<1x1x16xf32>,
        %swap3A_577 = arith.constant 2 : i32
        %swap3A_578 = arith.index_cast %swap3A_577 : i32 to index
        %swap3A_579 = arith.index_cast %scan3A_496 : i32 to index
        %swap3A_580 = arith.constant 32 : index
        %swap3A_581 = tpu.vector_load %arg9[%swap3A_578, %swap3A_579, %swap3A_580] {strides = array<i32>} : memref<4x200x64xf32, #tpu.memory_space<vmem>>, vector<1x1x16xf32>,
        %swap3A_582 = vector.shape_cast %swap3A_581 : vector<1x1x16xf32> to vector<16xf32>
        %swap3A_583 = vector.shape_cast %get3A_562 : vector<16xf32> to vector<1x1x16xf32>
        tpu.vector_store %arg9[%swap3A_578, %swap3A_579, %swap3A_580], %swap3A_583 {add = true, strides = array<i32>} : memref<4x200x64xf32, #tpu.memory_space<vmem>>, vector<1x1x16xf32>,
        %swap3A_584 = arith.constant 3 : i32
        %swap3A_585 = arith.index_cast %swap3A_584 : i32 to index
        %swap3A_586 = arith.index_cast %scan3A_496 : i32 to index
        %swap3A_587 = arith.constant 32 : index
        %swap3A_588 = tpu.vector_load %arg9[%swap3A_585, %swap3A_586, %swap3A_587] {strides = array<i32>} : memref<4x200x64xf32, #tpu.memory_space<vmem>>, vector<1x1x16xf32>,
        %swap3A_589 = vector.shape_cast %swap3A_588 : vector<1x1x16xf32> to vector<16xf32>
        %swap3A_590 = vector.shape_cast %get3A_562 : vector<16xf32> to vector<1x1x16xf32>
        tpu.vector_store %arg9[%swap3A_585, %swap3A_586, %swap3A_587], %swap3A_590 {add = true, strides = array<i32>} : memref<4x200x64xf32, #tpu.memory_space<vmem>>, vector<1x1x16xf32>,
        %get3A_591 = arith.index_cast %scan3A_496 : i32 to index
        %get3A_592 = arith.constant 48 : index
        %get3A_593 = tpu.vector_load %arg10[%get3A_591, %get3A_592] {strides = array<i32>} : memref<200x64xf32, #tpu.memory_space<vmem>>, vector<1x16xf32>,
        %get3A_594 = vector.shape_cast %get3A_593 : vector<1x16xf32> to vector<16xf32>
        %swap3A_595 = arith.constant 0 : i32
        %swap3A_596 = arith.index_cast %swap3A_595 : i32 to index
        %swap3A_597 = arith.index_cast %scan3A_496 : i32 to index
        %swap3A_598 = arith.constant 48 : index
        %swap3A_599 = tpu.vector_load %arg9[%swap3A_596, %swap3A_597, %swap3A_598] {strides = array<i32>} : memref<4x200x64xf32, #tpu.memory_space<vmem>>, vector<1x1x16xf32>,
        %swap3A_600 = vector.shape_cast %swap3A_599 : vector<1x1x16xf32> to vector<16xf32>
        %swap3A_601 = vector.shape_cast %get3A_594 : vector<16xf32> to vector<1x1x16xf32>
        tpu.vector_store %arg9[%swap3A_596, %swap3A_597, %swap3A_598], %swap3A_601 {add = true, strides = array<i32>} : memref<4x200x64xf32, #tpu.memory_space<vmem>>, vector<1x1x16xf32>,
        %swap3A_602 = arith.constant 1 : i32
        %swap3A_603 = arith.index_cast %swap3A_602 : i32 to index
        %swap3A_604 = arith.index_cast %scan3A_496 : i32 to index
        %swap3A_605 = arith.constant 48 : index
        %swap3A_606 = tpu.vector_load %arg9[%swap3A_603, %swap3A_604, %swap3A_605] {strides = array<i32>} : memref<4x200x64xf32, #tpu.memory_space<vmem>>, vector<1x1x16xf32>,
        %swap3A_607 = vector.shape_cast %swap3A_606 : vector<1x1x16xf32> to vector<16xf32>
        %swap3A_608 = vector.shape_cast %get3A_594 : vector<16xf32> to vector<1x1x16xf32>
        tpu.vector_store %arg9[%swap3A_603, %swap3A_604, %swap3A_605], %swap3A_608 {add = true, strides = array<i32>} : memref<4x200x64xf32, #tpu.memory_space<vmem>>, vector<1x1x16xf32>,
        %swap3A_609 = arith.constant 2 : i32
        %swap3A_610 = arith.index_cast %swap3A_609 : i32 to index
        %swap3A_611 = arith.index_cast %scan3A_496 : i32 to index
        %swap3A_612 = arith.constant 48 : index
        %swap3A_613 = tpu.vector_load %arg9[%swap3A_610, %swap3A_611, %swap3A_612] {strides = array<i32>} : memref<4x200x64xf32, #tpu.memory_space<vmem>>, vector<1x1x16xf32>,
        %swap3A_614 = vector.shape_cast %swap3A_613 : vector<1x1x16xf32> to vector<16xf32>
        %swap3A_615 = vector.shape_cast %get3A_594 : vector<16xf32> to vector<1x1x16xf32>
        tpu.vector_store %arg9[%swap3A_610, %swap3A_611, %swap3A_612], %swap3A_615 {add = true, strides = array<i32>} : memref<4x200x64xf32, #tpu.memory_space<vmem>>, vector<1x1x16xf32>,
        %swap3A_616 = arith.constant 3 : i32
        %swap3A_617 = arith.index_cast %swap3A_616 : i32 to index
        %swap3A_618 = arith.index_cast %scan3A_496 : i32 to index
        %swap3A_619 = arith.constant 48 : index
        %swap3A_620 = tpu.vector_load %arg9[%swap3A_617, %swap3A_618, %swap3A_619] {strides = array<i32>} : memref<4x200x64xf32, #tpu.memory_space<vmem>>, vector<1x1x16xf32>,
        %swap3A_621 = vector.shape_cast %swap3A_620 : vector<1x1x16xf32> to vector<16xf32>
        %swap3A_622 = vector.shape_cast %get3A_594 : vector<16xf32> to vector<1x1x16xf32>
        tpu.vector_store %arg9[%swap3A_617, %swap3A_618, %swap3A_619], %swap3A_622 {add = true, strides = array<i32>} : memref<4x200x64xf32, #tpu.memory_space<vmem>>, vector<1x1x16xf32>,
      }
      %scan3A_482 = arith.constant 200 : i32
      %add3A_483 = arith.constant 1 : i32
      %add3A_484 = arith.addi %mul3A_134, %add3A_483 : i32
      %mul3A_485 = arith.constant 128 : i32
      %mul3A_486 = arith.muli %add3A, %mul3A_485 : i32
      %mul3A_487 = arith.constant 4 : i32
      %mul3A_488 = arith.muli %add3A_484, %mul3A_487 : i32
      %add3A_489 = arith.addi %mul3A_486, %mul3A_488 : i32
      %dma_start3A_490 = arith.constant 0 : i32
      %dma_start3A_491 = arith.constant 0 : i32
      %dma_start3A_492 = tpu.memref_slice %arg5[%add3A_489, %dma_start3A_490, %dma_start3A_491] : memref<4096x200x128xf32, #tpu.memory_space<hbm>> -> memref<4x200x64xf32, #tpu.memory_space<hbm>>
      %dma_start3A_493 = arith.constant 0 : i32
      %dma_start3A_494 = arith.constant 0 : i32
      %dma_start3A_495 = tpu.memref_slice %arg5[%add3A_489, %dma_start3A_493, %dma_start3A_494] : memref<4096x200x128xf32, #tpu.memory_space<hbm>> -> memref<4x200x64xf32, #tpu.memory_space<hbm>>
      tpu.enqueue_dma source(%arg9 : memref<4x200x64xf32, #tpu.memory_space<vmem>>) target(%dma_start3A_495 : memref<4x200x64xf32, #tpu.memory_space<hbm>>) target_semaphore(%arg14 : memref<!tpu.dma_semaphore, #tpu.memory_space<semaphore_mem>>)
    }
    %scan3A_112 = arith.constant 16 : i32
    %mul3A_113 = arith.constant 128 : i32
    %mul3A_114 = arith.muli %add3A, %mul3A_113 : i32
    %add3A_115 = arith.constant 120 : i32
    %add3A_116 = arith.addi %mul3A_114, %add3A_115 : i32
    %dma_wait3A = arith.constant 0 : i32
    %dma_wait3A_117 = arith.constant 0 : i32
    %dma_wait3A_118 = tpu.memref_slice %arg5[%add3A_116, %dma_wait3A, %dma_wait3A_117] : memref<4096x200x128xf32, #tpu.memory_space<hbm>> -> memref<4x200x64xf32, #tpu.memory_space<hbm>>
    %dma_wait3A_119 = arith.constant 0 : i32
    %dma_wait3A_120 = arith.constant 0 : i32
    %dma_wait3A_121 = tpu.memref_slice %arg5[%add3A_116, %dma_wait3A_119, %dma_wait3A_120] : memref<4096x200x128xf32, #tpu.memory_space<hbm>> -> memref<4x200x64xf32, #tpu.memory_space<hbm>>
    tpu.wait_dma2 semaphore(%arg13 : memref<!tpu.dma_semaphore, #tpu.memory_space<semaphore_mem>>) src(%arg8 : memref<4x200x64xf32, #tpu.memory_space<vmem>>) dst(%dma_wait3A_121 : memref<4x200x64xf32, #tpu.memory_space<hbm>>)
    %mul3A_122 = arith.constant 128 : i32
    %mul3A_123 = arith.muli %add3A, %mul3A_122 : i32
    %add3A_124 = arith.constant 124 : i32
    %add3A_125 = arith.addi %mul3A_123, %add3A_124 : i32
    %dma_wait3A_126 = arith.constant 0 : i32
    %dma_wait3A_127 = arith.constant 0 : i32
    %dma_wait3A_128 = tpu.memref_slice %arg5[%add3A_125, %dma_wait3A_126, %dma_wait3A_127] : memref<4096x200x128xf32, #tpu.memory_space<hbm>> -> memref<4x200x64xf32, #tpu.memory_space<hbm>>
    %dma_wait3A_129 = arith.constant 0 : i32
    %dma_wait3A_130 = arith.constant 0 : i32
    %dma_wait3A_131 = tpu.memref_slice %arg5[%add3A_125, %dma_wait3A_129, %dma_wait3A_130] : memref<4096x200x128xf32, #tpu.memory_space<hbm>> -> memref<4x200x64xf32, #tpu.memory_space<hbm>>
    tpu.wait_dma2 semaphore(%arg14 : memref<!tpu.dma_semaphore, #tpu.memory_space<semaphore_mem>>) src(%arg9 : memref<4x200x64xf32, #tpu.memory_space<vmem>>) dst(%dma_wait3A_131 : memref<4x200x64xf32, #tpu.memory_space<hbm>>)
    return
  }
}

</mosaic_0001>

<sc_bundles>
// kernel: kernel.3.cloned.1.call-start
scs
__scs_entry_jumppad:
0x0: {  	(pc) =	sbr.rel $0x88, $3  }
0x1: {  	(tag) =	ssettag $0x0;
	lr =	simm.s32 $0x1  }
0x2: {  	[smem:$0x3F9E] =	sst lr;
	_ =	strace $0xD0000000  }
0x3: {  	_ = 	snop  }
0x4: {  	_ = 	snop  }
0x5: {  	_ = 	snop  }
0x6: {  	_ = 	snop  }
0x7: {  	_ = 	snop  }
__scs_overlays_trampoline_lowered:
0x8: {  	[smem:$0x3FAD] =	sst s0  }
0x9: {  	[smem:$0x3FAE] =	sst s1  }
0xa: {  	[smem:$0x3FAF] =	sst s2  }
0xb: {  	[smem:$0x3FB0] =	sst s3  }
0xc: {  	[smem:$0x3FB1] =	sst s4  }
0xd: {  	[smem:$0x3FB2] =	sst s5  }
0xe: {  	[smem:$0x3FB3] =	sst s6  }
0xf: {  	[smem:$0x3FB4] =	sst s7  }
0x10: {  	[smem:$0x3FB5] =	sst s8  }
0x11: {  	[smem:$0x3FB6] =	sst s9;
	s0 =	simm.s32 @!p0 $0x0  }
0x12: {  	s1 =	sld [smem:$0x3F9C];
	s0 =	simm.s32 @p0 $0x1  }
0x13: {  	[smem:$0x3FB7] =	sst s0;
	s0 =	simm.s32 @!p1 $0x0  }
0x14: {  	s2 =	sld [smem:$0x3F9B];
	s0 =	simm.s32 @p1 $0x1  }
0x15: {  	[smem:$0x3FB8] =	sst s0;
	s0 =	simm.s32 @!p2 $0x0  }
0x16: {  	s3 =	sld [smem:$0x3FDB];
	s0 =	simm.s32 @p2 $0x1  }
0x17: {  	s4 =	simm.s32 $0x1BF5;
	[smem:$0x3FBA] =	sst s0  }
0x18: {  	s0 =	sld [smem:$0x3F9D];
	_ =	swait.ge [sflag:s4], $0x0  }
0x19: {  	s7 =	sld [smem:$0x3F9E]  }
0x1a: {  	s8 =	sadd.s32 $0xFFFFE003, lr  }
0x1b: {  	s9 =	sadd.s32 $0xFFFFFEF7, lr;
	s5 =	simm.s32 $0xFFFFFFFF;
	p2 =	slt.u32 s8, $0xFFFFF086  }
0x1c: {  	p1 =	slt.u32 s9, $0xF7A;
	s5 =	simm.s32 @!p2 $0x0  }
0x1d: {  	s5 =	simm.s32 @p1 $0x1;
	p0 =	seq.s32 s7, s2  }
0x1e: {  	s7 =	smul.u32 @!p0 $0xF7A, s2;
	p2 =	seq.s32 @!p0 s5, $0x0  }
0x1f: {  	s9 =	smul.u32 $0xF7A, s1;
	s8 =	simm.s32 @!p0 $0x1BF5;
	p2 =	por !p2, p0  }
0x20: {  	[sflag:s8] =	ssyncset.s32 @!p0 $0xFFFFF086;
	s6 =	sadd.s32 @!p0 s3, s7;
	s7 =	simm.s32 @!p0 $0x108  }
0x21: {  	s3 =	sadd.s32 s3, s9;
	s6 =	sadd.s32 @!p0 $0x88, s6;
	s7 =	simm.s32 @p2 $0x1082  }
0x22: {  	[simem:s7], [sflag:s8] =	dma.local @!p0 [hbm:s6], $0xF7A  }
0x23: {  	s9 =	sor.u32 $0xD0000000, s2;
	s6 =	simm.s32 $0x108;
	_ =	swait.ge @!p0 [sflag:s8], $0x0  }
0x24: {  	s3 =	sadd.s32 $0x88, s3;
	s6 =	simm.s32 @!p1 $0x1082;
	[sflag:s4] =	ssyncset.s32 $0xFFFFF086  }
0x25: {  	[simem:s6], [sflag:s4] =	dma.local [hbm:s3], $0xF7A  }
0x26: {  	[smem:$0x3F9E] =	sst s1;
	(tag) =	ssettag s2;
	_ =	strace s9  }
0x27: {  	s1 =	sld [smem:$0x3FAE]  }
0x28: {  	s2 =	sld [smem:$0x3FAF]  }
0x29: {  	s4 =	sld [smem:$0x3FB1]  }
0x2a: {  	p0 =	seq.s32 s5, $0x0;
	s5 =	sld [smem:$0x3FB2]  }
0x2b: {  	s6 =	sld [smem:$0x3FB3]  }
0x2c: {  	s7 =	sld [smem:$0x3FB4]  }
0x2d: {  	s3 =	simm.s32 $0x108;
	s8 =	sld [smem:$0x3FB5]  }
0x2e: {  	s3 =	simm.s32 @!p0 $0x1082;
	s9 =	sld [smem:$0x3FB6]  }
0x2f: {  	lr =	sadd.s32 s0, s3;
	s0 =	sld [smem:$0x3FAD]  }
0x30: {  	s3 =	sld [smem:$0x3FB0]  }
0x31: {  	[smem:$0x3FB9] =	sst s10  }
0x32: {  	s10 =	sld [smem:$0x3FB7];
	_ =	sdelay $0x3  }
0x33: {  	p0 =	seq.s32 s10, $0x1;
	s10 =	sld [smem:$0x3FB9];
	_ =	sdelay $0x3  }
0x34: {  	[smem:$0x3FB9] =	sst s10  }
0x35: {  	s10 =	sld [smem:$0x3FB8];
	_ =	sdelay $0x3  }
0x36: {  	p1 =	seq.s32 s10, $0x1;
	s10 =	sld [smem:$0x3FB9];
	_ =	sdelay $0x3  }
0x37: {  	[smem:$0x3FB9] =	sst s10  }
0x38: {  	s10 =	sld [smem:$0x3FBA]  }
0x39: {  	_ = 	snop;
	(pc) =	sbr.ind lr, $3  }
0x3a: {  	_ = 	snop  }
0x3b: {  	_ = 	snop  }
0x3c: {  	p2 =	seq.s32 s10, $0x1;
	s10 =	sld [smem:$0x3FB9]  }
0x3d: {  	_ =	shalt  }
0x3e: {  	_ =	shalt  }
0x3f: {  	_ =	shalt  }
0x40: {  	_ =	shalt  }
0x41: {  	_ =	shalt  }
0x42: {  	_ =	shalt  }
0x43: {  	_ =	shalt  }
0x44: {  	_ =	shalt  }
0x45: {  	_ =	shalt  }
0x46: {  	_ =	shalt  }
0x47: {  	_ =	shalt  }
0x48: {  	_ =	shalt  }
0x49: {  	_ =	shalt  }
0x4a: {  	_ =	shalt  }
0x4b: {  	_ =	shalt  }
0x4c: {  	_ =	shalt  }
0x4d: {  	_ =	shalt  }
0x4e: {  	_ =	shalt  }
0x4f: {  	_ =	shalt  }
0x50: {  	_ =	shalt  }
0x51: {  	_ =	shalt  }
0x52: {  	_ =	shalt  }
0x53: {  	_ =	shalt  }
0x54: {  	_ =	shalt  }
0x55: {  	_ =	shalt  }
0x56: {  	_ =	shalt  }
0x57: {  	_ =	shalt  }
0x58: {  	_ =	shalt  }
0x59: {  	_ =	shalt  }
0x5a: {  	_ =	shalt  }
0x5b: {  	_ =	shalt  }
0x5c: {  	_ =	shalt  }
0x5d: {  	_ =	shalt  }
0x5e: {  	_ =	shalt  }
0x5f: {  	_ =	shalt  }
0x60: {  	_ =	shalt  }
0x61: {  	_ =	shalt  }
0x62: {  	_ =	shalt  }
0x63: {  	_ =	shalt  }
0x64: {  	_ =	shalt  }
0x65: {  	_ =	shalt  }
0x66: {  	_ =	shalt  }
0x67: {  	_ =	shalt  }
0x68: {  	_ =	shalt  }
0x69: {  	_ =	shalt  }
0x6a: {  	_ =	shalt  }
0x6b: {  	_ =	shalt  }
0x6c: {  	_ =	shalt  }
0x6d: {  	_ =	shalt  }
0x6e: {  	_ =	shalt  }
0x6f: {  	_ =	shalt  }
0x70: {  	_ =	shalt  }
0x71: {  	_ =	shalt  }
0x72: {  	_ =	shalt  }
0x73: {  	_ =	shalt  }
0x74: {  	_ =	shalt  }
0x75: {  	_ =	shalt  }
0x76: {  	_ =	shalt  }
0x77: {  	_ =	shalt  }
0x78: {  	_ =	shalt  }
0x79: {  	_ =	shalt  }
0x7a: {  	_ =	shalt  }
0x7b: {  	_ =	shalt  }
0x7c: {  	_ =	shalt  }
0x7d: {  	_ =	shalt  }
0x7e: {  	_ =	shalt  }
0x7f: {  	_ =	shalt  }
0x80: {  	_ =	shalt  }
0x81: {  	_ =	shalt  }
0x82: {  	_ =	shalt  }
0x83: {  	_ =	shalt  }
0x84: {  	_ =	shalt  }
0x85: {  	_ =	shalt  }
0x86: {  	_ =	shalt  }
0x87: {  	_ =	shalt  }
.Lfunc_end0:
.L_simem_size_0:
called_computation.1_lowered:
.L_overlay_start_0:
0x88: {  	s2 =	sld [smem:$0x3FD9]  }
0x89: {  	s3 =	sld [smem:$0x3FFE];
	_ =	sdelay $0x1  }
0x8a: {  	s1 =	srdreg.scid  }
0x8b: {  	s0 =	sand.u32 $0x1, s1  }
0x8c: {  	s17 =	sshll.u32 s0, $0xA;
	s2 =	sadd.s32 s3, s2  }
0x8d: {  	s2 =	sadd.s32 s2, s17  }
0x8e: {  	[smem:$0x3FC5] =	sst s2  }
0x8f: {  	_ = 	snop  }
0x90: {  	s2 =	sld [smem:$0x3FD0];
	(tm) =	ssettm $0x1  }
0x91: {  	s18 =	sld [smem:$0x3FFB];
	_ =	sdelay $0x3  }
0x92: {  	_ =	strace s18  }
0x93: {  	s3 =	sld [smem:$0x3FFC];
	_ =	sdelay $0x3  }
0x94: {  	_ =	strace s3  }
0x95: {  	s3 =	sld [smem:$0x3FFD];
	_ =	sdelay $0x3  }
0x96: {  	_ =	strace s3  }
0x97: {  	_ =	strace $0x8FFFFFFF  }
0x98: {  	s19 =	sld [smem:$0x3FDB];
	_ =	sdelay $0x1  }
0x99: {  	s4 =	simm.s32 $_scs_section_size  }
0x9a: {  	s5 =	simm.s32 $_size__tile_overlayer_lowered;
	s6 =	simm.s32 $_tile_overlayer_lowered  }
0x9b: {  	s22 =	simm.s32 $0x1BFF;
	s21 =	sshll.u32 s6, $0x1;
	s3 =	sadd.s32 s4, s19  }
0x9c: {  	s7 =	simm.s32 $0x0;
	s20 =	sshll.u32 s5, $0x1;
	s5 =	sadd.s32 s21, s3  }
0x9d: {  	[timem:s7], [sflag:s22] =	dma.local [hbm:s5], s20  }
0x9e: {  	_ =	swait.ge [sflag:s22], s20  }
0x9f: {  	s4 =	ssub.s32 $0x0, s20;
	[sflag:s22] =	ssyncset.done $0x0  }
0xa0: {  	[sflag:s22] =	ssyncadd.s32 s4;
	_ =	sdelay $0x1  }
0xa1: {  	s23 =	simm.s32 $0x1B8B  }
0xa2: {  	_ =	swait.ge [sflag:s23], $0x1  }
0xa3: {  	[sflag:s23] =	ssyncset.done $0x0  }
0xa4: {  	s25 =	simm.s32 $0x1B8E;
	s24 =	sld [smem:$0x3FFE];
	[sflag:s23] =	ssyncadd.s32 $0xFFFFFFFF  }
0xa5: {  	s26 =	simm.s32 $execute0_lowered;
	[smem:$0x3FD2] =	sst s25  }
0xa6: {  	s5 =	sshll.u32 s26, $0x1;
	_ =	strace $0x80000046;
	[dreg:$0x1] =	wrdreg $0xFFFFFFFF  }
0xa7: {  	s28 =	simm.s32 $_size_execute0_lowered;
	s3 =	sadd.s32 s3, s5;
	[dreg:$0x0] =	wrdreg $0x0  }
0xa8: {  	s5 =	sshll.u32 s28, $0x1;
	[dreg:$0x2] =	wrdreg s3  }
0xa9: {  	[dreg:$0x3] =	wrdreg s5  }
0xaa: {  	[dreg:$0x4] =	wrdreg $0xC0  }
0xab: {  	_ =	task [dreg:s7], $0x5FFFF  }
0xac: {  	[dreg:$0x1] =	wrdreg $0xFFFFFFFF  }
0xad: {  	[dreg:$0x0] =	wrdreg $0x60  }
0xae: {  	[dreg:$0x2] =	wrdreg s2  }
0xaf: {  	[dreg:$0x3] =	wrdreg s24  }
0xb0: {  	[dreg:$0x4] =	wrdreg $0x9  }
0xb1: {  	_ =	task.clear_ibuf [dreg:s7], $0x5FFFF;
	_ =	strace $0x90000046  }
0xb2: {  	s29 =	simm.s32 $0x9;
	_ =	strace $0x80000048  }
0xb3: {  	_ =	swait.ge [sflag:s29], $0x1  }
0xb4: {  	[sflag:s29] =	ssyncadd.s32 $0xFFFFFFFF  }
0xb5: {  	_ =	strace $0x90000048  }
0xb6: {  	_ =	sfence  }
0xb7: {  	s30 =	sld [smem:$0x0];
	_ =	sdelay $0x2  }
0xb8: {  	s31 =	sshll.u32 s1, $0xD;
	s1 =	sshrl.u32 s1, $0x2  }
0xb9: {  	s3 =	sand.u32 $0x4000, s31;
	s1 =	sadd.s32 s1, s30  }
0xba: {  	s0 =	sor.u32 s3, s0;
	s1 =	sshll.u32 s1, $0x11  }
0xbb: {  	s0 =	sor.u32 s1, s0  }
0xbc: {  	s0 =	sadd.s32 $0x8F2B, s0  }
0xbd: {  	[sflag:s0] =	ssyncadd.remote.s32 $0x1  }
0xbe: {  	_ =	sfence.sel $0xFFFF  }
0xbf: {  	[dreg:$0x0] =	wrdreg $0xFFFFFFFF;
	(pc) =	sbr.abs _section_cstart, $3  }
0xc0: {  	[dreg:$0x1] =	wrdreg $0xFFFFFFFF  }
0xc1: {  	_ =	task.clear_ibuf [dreg:s7], $0x2FFFF;
	_ =	strace $0x9FFFFFFF  }
0xc2: {  	(tm) =	ssettm $0x7FFFFFFF  }
0xc3: {  	_ =	shalt  }
tec
execute0_lowered:
.L_overlay_start_1:
0x0: {  	(tag) =	ssettag $0x1  }
0x1: {  	s2 =	rddreg [dreg:$0x0]  }
0x2: {  	s0 =	rddreg [dreg:$0x1];
	s1 =	srdreg.scid  }
0x3: {  	s3 =	stileid.u32;
	s4 =	simm.s32 $0x0;
	s13 =	simm.s32 $0x5  }
0x4: {  	s14 =	simm.s32 $0x80;
	s16 =	simm.s32 $0x48;
	s31 =	simm.s32 $0x320  }
0x5: {  	s18 =	simm.s32 $0x10040;
	s19 =	simm.s32 $0x468;
	s20 =	simm.s32 $0x12040  }
0x6: {  	s21 =	simm.s32 $0x4B0;
	s22 =	simm.s32 $0x13240;
	s23 =	simm.s32 $0x530  }
0x7: {  	s28 =	simm.s32 $0x5F8;
	s29 =	simm.s32 $0x18440;
	s30 =	simm.s32 $0x1  }
0x8: {  	s8 =	simm.s32 $0x2;
	s11 =	simm.s32 $0x0;
	s1 =	sand.u32 $0x1, s1  }
0x9: {  	s3 =	sshll.u32 s3, $0x1;
	[smem:$0x7FF] =	sst s4;
	s5 =	sadd.s32 $0xF43000, s0  }
0xa: {  	s6 =	sadd.s32 $0xC00, s0;
	s7 =	sadd.s32 $0x1C00, s0;
	s3 =	sor.u32 s1, s3  }
0xb: {  	_ =	strace $0x80000047;
	[dreg:$0x3] =	wrdreg s6;
	s1 =	ssub.s32 $0x2, s1  }
0xc: {  	s6 =	simm.s32 $0x40;
	s4 =	smul.u32 $0x6400, s3;
	s24 =	sshrl.u32 s1, $0x1  }
0xd: {  	s9 =	sshll.u32 s3, $0x7;
	s0 =	ssub.s32 s1, s24;
	s24 =	simm.s32 $0x15240  }
0xe: {  	s25 =	sshrl.u32 s4, $0x3;
	s10 =	sadd.s32 $0x640, s4;
	s0 =	smax.u32 s0, $0x1  }
0xf: {  	s26 =	sadd.s32 s2, s25;
	[dreg:$0x5] =	wrdreg s0;
	s0 =	simm.s32 $0xCE40  }
0x10: {  	s25 =	simm.s32 $0x578;
	[dreg:$0x4] =	wrdreg s26;
	s26 =	simm.s32 $0x16440  }
.LBB2_1:
0x11: {  	[dreg:$0x6] =	wrdreg s11  }
0x12: {  	s1 =	simm.s32 $0x0;
	s3 =	rddreg [dreg:$0x3];
	s12 =	simm.s32 $0x19640  }
0x13: {  	[tilespmem:s12], [sflag:$0x5] =	stream.linear.gather [hbm4b:s3+s1], $0x3200, $0x38;
	[tilespmem:$0x1C840] =	vst v63  }
0x14: {  	_ =	swait.ge [sflag:s13], $0x3200  }
0x15: {  	[sflag:s13] =	ssyncset.done $0x0  }
0x16: {  	s15 =	rddreg [dreg:$0x4];
	[sflag:s13] =	ssyncadd.s32 $0xFFFFCE00  }
0x17: {  	[tilespmem:s1], [sflag:$0x5] =	stream.linear.gather [hbm4b:s15+s1], $0x320, $0x38;
	[tilespmem:$0x1C840] =	vst v63  }
0x18: {  	_ =	swait.ge [sflag:s13], $0x320  }
0x19: {  	[sflag:s13] =	ssyncset.done $0x0  }
0x1a: {  	s17 =	simm.s32 $0x640;
	[sflag:s13] =	ssyncadd.s32 $0xFFFFFCE0  }
0x1b: {  	[tilespmem:s17], [sflag:$0x1] =	stream.indirect.gather [hbm4b:s5+s14], $0x40, s1, s14, $0xb8;
	[tilespmem:$0x1C840] =	vst v63  }
0x1c: {  	s3 =	simm.s32 $0x2640  }
0x1d: {  	[tilespmem:s3], [sflag:$0x1] =	stream.indirect.gather [hbm4b:s5+s16], $0x40, s14, s16, $0xb8;
	[tilespmem:$0x1C840] =	vst v63  }
0x1e: {  	s11 =	simm.s32 $0xC8;
	s12 =	simm.s32 $0x3840  }
0x1f: {  	[tilespmem:s12], [sflag:$0x1] =	stream.indirect.gather [hbm4b:s5+s14], $0x40, s11, s14, $0xb8;
	[tilespmem:$0x1C840] =	vst v63  }
0x20: {  	s15 =	simm.s32 $0x148;
	s17 =	simm.s32 $0x5840  }
0x21: {  	[tilespmem:s17], [sflag:$0x1] =	stream.indirect.gather [hbm4b:s5+s16], $0x40, s15, s16, $0xb8;
	[tilespmem:$0x1C840] =	vst v63  }
0x22: {  	s11 =	simm.s32 $0x190;
	s12 =	simm.s32 $0x6A40  }
0x23: {  	[tilespmem:s12], [sflag:$0x1] =	stream.indirect.gather [hbm4b:s5+s14], $0x40, s11, s14, $0xb8;
	[tilespmem:$0x1C840] =	vst v63  }
0x24: {  	s15 =	simm.s32 $0x210;
	s17 =	simm.s32 $0x8A40  }
0x25: {  	[tilespmem:s17], [sflag:$0x1] =	stream.indirect.gather [hbm4b:s5+s16], $0x40, s15, s16, $0xb8;
	[tilespmem:$0x1C840] =	vst v63  }
0x26: {  	s11 =	simm.s32 $0x258;
	s12 =	simm.s32 $0x9C40  }
0x27: {  	[tilespmem:s12], [sflag:$0x1] =	stream.indirect.gather [hbm4b:s5+s14], $0x40, s11, s14, $0xb8;
	[tilespmem:$0x1C840] =	vst v63  }
0x28: {  	s15 =	simm.s32 $0x2D8;
	s17 =	simm.s32 $0xBC40;
	s11 =	simm.s32 $0x0  }
0x29: {  	[tilespmem:s17], [sflag:$0x1] =	stream.indirect.gather [hbm4b:s5+s16], $0x40, s15, s16, $0xb8;
	[tilespmem:$0x1C840] =	vst v63  }
.LBB2_2:
0x2a: {  	s1 =	sshll.u32 s11, $0x1  }
0x2b: {  	s3 =	sor.u32 $0x1, s1  }
0x2c: {  	p0 =	seq.s32 s11, $0x0;
	s1 =	smul.u32 $0x320, s3  }
0x2d: {  	s12 =	simm.s32 @!p0 $0x4  }
0x2e: {  	_ =	swait.ge @!p0 [sflag:s12], $0xC800;
	s1 =	sadd.s32 s4, s1  }
0x2f: {  	[sflag:s12] =	ssyncset.done @!p0 $0x0;
	s1 =	sshrl.u32 s1, $0x3  }
0x30: {  	s17 =	simm.s32 $0x0;
	[sflag:s12] =	ssyncadd.s32 @!p0 $0xFFFF3800;
	s1 =	sadd.s32 s2, s1  }
0x31: {  	[tilespmem:s31], [sflag:$0x5] =	stream.linear.gather [hbm4b:s1+s17], $0x320, $0x38;
	[tilespmem:$0x1C840] =	vst v63  }
0x32: {  	_ =	swait.ge [sflag:s13], $0x320  }
0x33: {  	[sflag:s13] =	ssyncset.done $0x0  }
0x34: {  	[sflag:s13] =	ssyncadd.s32 $0xFFFFFCE0  }
0x35: {  	[tilespmem:s0], [sflag:$0x2] =	stream.indirect.gather [hbm4b:s5+s14], $0x40, s31, s14, $0xb8;
	[tilespmem:$0x1C840] =	vst v63  }
0x36: {  	s15 =	simm.s32 $0xEE40;
	s12 =	simm.s32 $0x3A0  }
0x37: {  	[tilespmem:s15], [sflag:$0x2] =	stream.indirect.gather [hbm4b:s5+s16], $0x40, s12, s16, $0xb8;
	[tilespmem:$0x1C840] =	vst v63  }
0x38: {  	s17 =	simm.s32 $0x3E8  }
0x39: {  	[tilespmem:s18], [sflag:$0x2] =	stream.indirect.gather [hbm4b:s5+s14], $0x40, s17, s14, $0xb8;
	[tilespmem:$0x1C840] =	vst v63  }
0x3a: {  	_ = 	snop  }
0x3b: {  	[tilespmem:s20], [sflag:$0x2] =	stream.indirect.gather [hbm4b:s5+s16], $0x40, s19, s16, $0xb8;
	[tilespmem:$0x1C840] =	vst v63  }
0x3c: {  	_ = 	snop  }
0x3d: {  	[tilespmem:s22], [sflag:$0x2] =	stream.indirect.gather [hbm4b:s5+s14], $0x40, s21, s14, $0xb8;
	[tilespmem:$0x1C840] =	vst v63  }
0x3e: {  	_ = 	snop  }
0x3f: {  	[tilespmem:s24], [sflag:$0x2] =	stream.indirect.gather [hbm4b:s5+s16], $0x40, s23, s16, $0xb8;
	[tilespmem:$0x1C840] =	vst v63  }
0x40: {  	_ = 	snop  }
0x41: {  	[tilespmem:s26], [sflag:$0x2] =	stream.indirect.gather [hbm4b:s5+s14], $0x40, s25, s14, $0xb8;
	[tilespmem:$0x1C840] =	vst v63  }
0x42: {  	_ = 	snop  }
0x43: {  	[tilespmem:s29], [sflag:$0x2] =	stream.indirect.gather [hbm4b:s5+s16], $0x40, s28, s16, $0xb8;
	[tilespmem:$0x1C840] =	vst v63  }
0x44: {  	_ =	swait.ge [sflag:s30], $0x2000  }
0x45: {  	[sflag:s30] =	ssyncset.done $0x0  }
0x46: {  	[sflag:s30] =	ssyncadd.s32 $0xFFFFE000  }
0x47: {  	_ =	swait.ge [sflag:s30], $0x1200  }
0x48: {  	[sflag:s30] =	ssyncset.done $0x0  }
0x49: {  	[sflag:s30] =	ssyncadd.s32 $0xFFFFEE00  }
0x4a: {  	_ =	swait.ge [sflag:s30], $0x2000  }
0x4b: {  	[sflag:s30] =	ssyncset.done $0x0  }
0x4c: {  	[sflag:s30] =	ssyncadd.s32 $0xFFFFE000  }
0x4d: {  	_ =	swait.ge [sflag:s30], $0x1200  }
0x4e: {  	[sflag:s30] =	ssyncset.done $0x0  }
0x4f: {  	[sflag:s30] =	ssyncadd.s32 $0xFFFFEE00  }
0x50: {  	_ =	swait.ge [sflag:s30], $0x2000  }
0x51: {  	[sflag:s30] =	ssyncset.done $0x0  }
0x52: {  	[sflag:s30] =	ssyncadd.s32 $0xFFFFE000  }
0x53: {  	_ =	swait.ge [sflag:s30], $0x1200  }
0x54: {  	[sflag:s30] =	ssyncset.done $0x0  }
0x55: {  	[sflag:s30] =	ssyncadd.s32 $0xFFFFEE00  }
0x56: {  	_ =	swait.ge [sflag:s30], $0x2000  }
0x57: {  	[sflag:s30] =	ssyncset.done $0x0  }
0x58: {  	[sflag:s30] =	ssyncadd.s32 $0xFFFFE000  }
0x59: {  	_ =	swait.ge [sflag:s30], $0x1200  }
0x5a: {  	[sflag:s30] =	ssyncset.done $0x0  }
0x5b: {  	s15 =	simm.s32 $0x0;
	[sflag:s30] =	ssyncadd.s32 $0xFFFFEE00  }
0x5c: {  	v0 =	vld [tilespmem:s15+$0x19670]  }
0x5d: {  	v1 =	vld [tilespmem:s15+$0x19640];
	_ =	sdelay $0x1  }
0x5e: {  	v2 =	vld [tilespmem:s15+$0x19650]  }
0x5f: {  	v3 =	vld [tilespmem:s15+$0x19660]  }
0x60: {  	[tilespmem:s15+$0x9C70] =	vst.add.f32.msk $0xffff, v0  }
0x61: {  	[tilespmem:s15+$0x640] =	vst.add.f32.msk $0xffff, v1  }
0x62: {  	[tilespmem:s15+$0x3840] =	vst.add.f32.msk $0xffff, v1  }
0x63: {  	[tilespmem:s15+$0x6A40] =	vst.add.f32.msk $0xffff, v1  }
0x64: {  	[tilespmem:s15+$0x9C40] =	vst.add.f32.msk $0xffff, v1  }
0x65: {  	[tilespmem:s15+$0x650] =	vst.add.f32.msk $0xffff, v2  }
0x66: {  	[tilespmem:s15+$0x3850] =	vst.add.f32.msk $0xffff, v2  }
0x67: {  	[tilespmem:s15+$0x6A50] =	vst.add.f32.msk $0xffff, v2  }
0x68: {  	[tilespmem:s15+$0x9C50] =	vst.add.f32.msk $0xffff, v2  }
0x69: {  	[tilespmem:s15+$0x660] =	vst.add.f32.msk $0xffff, v3  }
0x6a: {  	[tilespmem:s15+$0x3860] =	vst.add.f32.msk $0xffff, v3  }
0x6b: {  	[tilespmem:s15+$0x6A60] =	vst.add.f32.msk $0xffff, v3  }
0x6c: {  	[tilespmem:s15+$0x9C60] =	vst.add.f32.msk $0xffff, v3  }
0x6d: {  	[tilespmem:s15+$0x670] =	vst.add.f32.msk $0xffff, v0  }
0x6e: {  	s1 =	simm.s32 $0x200;
	s12 =	simm.s32 $0x40;
	[tilespmem:s15+$0x3870] =	vst.add.f32.msk $0xffff, v0  }
.LBB2_3:
0x6f: {  	p0 =	sne.s32 s1, $0xC700;
	v1 =	vld [tilespmem:s12+$0x19670]  }
0x70: {  	v2 =	vld [tilespmem:s12+$0x19640]  }
0x71: {  	v3 =	vld [tilespmem:s12+$0x19650]  }
0x72: {  	v4 =	vld [tilespmem:s12+$0x19660]  }
0x73: {  	[tilespmem:s15+$0x6A70] =	vst.add.f32.msk $0xffff, v0;
	s15 =	smov.u32 s12  }
0x74: {  	[tilespmem:s15+$0x9C70] =	vst.add.f32.msk $0xffff, v1;
	v0 =	vmov v1  }
0x75: {  	[tilespmem:s15+$0x640] =	vst.add.f32.msk $0xffff, v2  }
0x76: {  	[tilespmem:s15+$0x3840] =	vst.add.f32.msk $0xffff, v2  }
0x77: {  	[tilespmem:s15+$0x6A40] =	vst.add.f32.msk $0xffff, v2  }
0x78: {  	[tilespmem:s15+$0x9C40] =	vst.add.f32.msk $0xffff, v2  }
0x79: {  	[tilespmem:s15+$0x650] =	vst.add.f32.msk $0xffff, v3  }
0x7a: {  	[tilespmem:s15+$0x3850] =	vst.add.f32.msk $0xffff, v3  }
0x7b: {  	[tilespmem:s15+$0x6A50] =	vst.add.f32.msk $0xffff, v3  }
0x7c: {  	[tilespmem:s15+$0x9C50] =	vst.add.f32.msk $0xffff, v3  }
0x7d: {  	[tilespmem:s15+$0x660] =	vst.add.f32.msk $0xffff, v4  }
.Ltmp0:
0x7e: {  	[tilespmem:s15+$0x3860] =	vst.add.f32.msk $0xffff, v4;
	(pc) =	sbr.rel @p0 .LBB2_3-.Ltmp0, $4  }
0x7f: {  	[tilespmem:s15+$0x6A60] =	vst.add.f32.msk $0xffff, v4  }
0x80: {  	[tilespmem:s15+$0x9C60] =	vst.add.f32.msk $0xffff, v4  }
0x81: {  	[tilespmem:s15+$0x670] =	vst.add.f32.msk $0xffff, v0  }
0x82: {  	s12 =	sshra.s32 s1, $0x2;
	s1 =	sadd.s32 $0x100, s1;
	[tilespmem:s15+$0x3870] =	vst.add.f32.msk $0xffff, v0  }
0x83: {  	v1 =	vld [tilespmem:s12+$0x19670]  }
0x84: {  	v2 =	vld [tilespmem:s12+$0x19640]  }
0x85: {  	v3 =	vld [tilespmem:s12+$0x19650]  }
0x86: {  	v4 =	vld [tilespmem:s12+$0x19660]  }
0x87: {  	[tilespmem:s15+$0x6A70] =	vst.add.f32.msk $0xffff, v0  }
0x88: {  	[tilespmem:s12+$0x9C70] =	vst.add.f32.msk $0xffff, v1  }
0x89: {  	[tilespmem:s12+$0x640] =	vst.add.f32.msk $0xffff, v2  }
0x8a: {  	[tilespmem:s12+$0x3840] =	vst.add.f32.msk $0xffff, v2  }
0x8b: {  	[tilespmem:s12+$0x6A40] =	vst.add.f32.msk $0xffff, v2  }
0x8c: {  	[tilespmem:s12+$0x9C40] =	vst.add.f32.msk $0xffff, v2  }
0x8d: {  	[tilespmem:s12+$0x650] =	vst.add.f32.msk $0xffff, v3  }
0x8e: {  	[tilespmem:s12+$0x3850] =	vst.add.f32.msk $0xffff, v3  }
0x8f: {  	[tilespmem:s12+$0x6A50] =	vst.add.f32.msk $0xffff, v3  }
0x90: {  	[tilespmem:s12+$0x9C50] =	vst.add.f32.msk $0xffff, v3  }
0x91: {  	[tilespmem:s12+$0x660] =	vst.add.f32.msk $0xffff, v4  }
0x92: {  	[tilespmem:s12+$0x3860] =	vst.add.f32.msk $0xffff, v4  }
0x93: {  	s1 =	sshll.u32 s11, $0x3;
	[tilespmem:s12+$0x6A60] =	vst.add.f32.msk $0xffff, v4  }
0x94: {  	s1 =	sadd.s32 s9, s1;
	[tilespmem:s12+$0x9C60] =	vst.add.f32.msk $0xffff, v4  }
0x95: {  	s1 =	smul.u32 $0xC80, s1;
	[tilespmem:s12+$0x670] =	vst.add.f32.msk $0xffff, v1  }
0x96: {  	[tilespmem:s12+$0x3870] =	vst.add.f32.msk $0xffff, v1  }
0x97: {  	s17 =	simm.s32 $0x640;
	p0 =	seq.s32 s11, $0xF;
	s1 =	sadd.s32 s7, s1;
	[tilespmem:s12+$0x6A70] =	vst.add.f32.msk $0xffff, v1  }
0x98: {  	[hbm4b:s1+s6] =	stream.strided.scatter [tilespmem:s17], [sflag:$0x3], $0xC800, s14, s6, $0x38;
	[tilespmem:$0x1C840] =	vst v63  }
0x99: {  	s1 =	smul.u32 @!p0 $0x640, s11  }
0x9a: {  	s12 =	simm.s32 @!p0 $0x3  }
0x9b: {  	_ =	swait.ge @!p0 [sflag:s12], $0xC800;
	s1 =	sadd.s32 @!p0 s1, s10  }
0x9c: {  	[sflag:s12] =	ssyncset.done @!p0 $0x0;
	s1 =	sshrl.u32 @!p0 s1, $0x3  }
0x9d: {  	[sflag:s12] =	ssyncadd.s32 @!p0 $0xFFFF3800;
	s12 =	simm.s32 @!p0 $0x0;
	s1 =	sadd.s32 @!p0 s2, s1  }
0x9e: {  	[tilespmem:s12], [sflag:$0x5] =	stream.linear.gather @!p0 [hbm4b:s1+s12], $0x320, $0x38;
	[tilespmem:$0x1C840] =	vst v63  }
0x9f: {  	s1 =	simm.s32 @!p0 $0x5  }
0xa0: {  	_ =	swait.ge @!p0 [sflag:s1], $0x320  }
0xa1: {  	[sflag:s1] =	ssyncset.done @!p0 $0x0  }
0xa2: {  	s15 =	simm.s32 @!p0 $0x640;
	[sflag:s1] =	ssyncadd.s32 @!p0 $0xFFFFFCE0;
	s1 =	simm.s32 @!p0 $0x80  }
0xa3: {  	[tilespmem:s15], [sflag:$0x1] =	stream.indirect.gather @!p0 [hbm4b:s5+s1], $0x40, s12, s1, $0xb8;
	[tilespmem:$0x1C840] =	vst v63  }
0xa4: {  	s12 =	simm.s32 @!p0 $0x48;
	s15 =	simm.s32 @!p0 $0x2640  }
0xa5: {  	[tilespmem:s15], [sflag:$0x1] =	stream.indirect.gather @!p0 [hbm4b:s5+s12], $0x40, s1, s12, $0xb8;
	[tilespmem:$0x1C840] =	vst v63  }
0xa6: {  	s17 =	simm.s32 @!p0 $0x3840;
	s15 =	simm.s32 @!p0 $0xC8  }
0xa7: {  	[tilespmem:s17], [sflag:$0x1] =	stream.indirect.gather @!p0 [hbm4b:s5+s1], $0x40, s15, s1, $0xb8;
	[tilespmem:$0x1C840] =	vst v63  }
0xa8: {  	s15 =	simm.s32 @!p0 $0x148;
	s17 =	simm.s32 @!p0 $0x5840  }
0xa9: {  	[tilespmem:s17], [sflag:$0x1] =	stream.indirect.gather @!p0 [hbm4b:s5+s12], $0x40, s15, s12, $0xb8;
	[tilespmem:$0x1C840] =	vst v63  }
0xaa: {  	s15 =	simm.s32 @!p0 $0x190;
	s17 =	simm.s32 @!p0 $0x6A40  }
0xab: {  	[tilespmem:s17], [sflag:$0x1] =	stream.indirect.gather @!p0 [hbm4b:s5+s1], $0x40, s15, s1, $0xb8;
	[tilespmem:$0x1C840] =	vst v63  }
0xac: {  	s15 =	simm.s32 @!p0 $0x210;
	s17 =	simm.s32 @!p0 $0x8A40  }
0xad: {  	[tilespmem:s17], [sflag:$0x1] =	stream.indirect.gather @!p0 [hbm4b:s5+s12], $0x40, s15, s12, $0xb8;
	[tilespmem:$0x1C840] =	vst v63  }
0xae: {  	s15 =	simm.s32 @!p0 $0x258;
	s17 =	simm.s32 @!p0 $0x9C40  }
0xaf: {  	[tilespmem:s17], [sflag:$0x1] =	stream.indirect.gather @!p0 [hbm4b:s5+s1], $0x40, s15, s1, $0xb8;
	[tilespmem:$0x1C840] =	vst v63  }
0xb0: {  	s1 =	simm.s32 @!p0 $0x2D8;
	s15 =	simm.s32 @!p0 $0xBC40  }
0xb1: {  	[tilespmem:s15], [sflag:$0x1] =	stream.indirect.gather @!p0 [hbm4b:s5+s12], $0x40, s1, s12, $0xb8;
	[tilespmem:$0x1C840] =	vst v63  }
0xb2: {  	_ =	swait.ge [sflag:s8], $0x2000  }
0xb3: {  	[sflag:s8] =	ssyncset.done $0x0  }
0xb4: {  	[sflag:s8] =	ssyncadd.s32 $0xFFFFE000  }
0xb5: {  	_ =	swait.ge [sflag:s8], $0x1200  }
0xb6: {  	[sflag:s8] =	ssyncset.done $0x0  }
0xb7: {  	[sflag:s8] =	ssyncadd.s32 $0xFFFFEE00  }
0xb8: {  	_ =	swait.ge [sflag:s8], $0x2000  }
0xb9: {  	[sflag:s8] =	ssyncset.done $0x0  }
0xba: {  	[sflag:s8] =	ssyncadd.s32 $0xFFFFE000  }
0xbb: {  	_ =	swait.ge [sflag:s8], $0x1200  }
0xbc: {  	[sflag:s8] =	ssyncset.done $0x0  }
0xbd: {  	[sflag:s8] =	ssyncadd.s32 $0xFFFFEE00  }
0xbe: {  	_ =	swait.ge [sflag:s8], $0x2000  }
0xbf: {  	[sflag:s8] =	ssyncset.done $0x0  }
0xc0: {  	[sflag:s8] =	ssyncadd.s32 $0xFFFFE000  }
0xc1: {  	_ =	swait.ge [sflag:s8], $0x1200  }
0xc2: {  	[sflag:s8] =	ssyncset.done $0x0  }
0xc3: {  	[sflag:s8] =	ssyncadd.s32 $0xFFFFEE00  }
0xc4: {  	_ =	swait.ge [sflag:s8], $0x2000  }
0xc5: {  	[sflag:s8] =	ssyncset.done $0x0  }
0xc6: {  	[sflag:s8] =	ssyncadd.s32 $0xFFFFE000  }
0xc7: {  	_ =	swait.ge [sflag:s8], $0x1200  }
0xc8: {  	[sflag:s8] =	ssyncset.done $0x0  }
0xc9: {  	s15 =	simm.s32 $0x0;
	[sflag:s8] =	ssyncadd.s32 $0xFFFFEE00  }
0xca: {  	v0 =	vld [tilespmem:s15+$0x19670]  }
0xcb: {  	v1 =	vld [tilespmem:s15+$0x19640];
	_ =	sdelay $0x1  }
0xcc: {  	v2 =	vld [tilespmem:s15+$0x19650]  }
0xcd: {  	v3 =	vld [tilespmem:s15+$0x19660]  }
0xce: {  	[tilespmem:s15+$0x16470] =	vst.add.f32.msk $0xffff, v0  }
0xcf: {  	[tilespmem:s15+$0xCE40] =	vst.add.f32.msk $0xffff, v1  }
0xd0: {  	[tilespmem:s15+$0x10040] =	vst.add.f32.msk $0xffff, v1  }
0xd1: {  	[tilespmem:s15+$0x13240] =	vst.add.f32.msk $0xffff, v1  }
0xd2: {  	[tilespmem:s15+$0x16440] =	vst.add.f32.msk $0xffff, v1  }
0xd3: {  	[tilespmem:s15+$0xCE50] =	vst.add.f32.msk $0xffff, v2  }
0xd4: {  	[tilespmem:s15+$0x10050] =	vst.add.f32.msk $0xffff, v2  }
0xd5: {  	[tilespmem:s15+$0x13250] =	vst.add.f32.msk $0xffff, v2  }
0xd6: {  	[tilespmem:s15+$0x16450] =	vst.add.f32.msk $0xffff, v2  }
0xd7: {  	[tilespmem:s15+$0xCE60] =	vst.add.f32.msk $0xffff, v3  }
0xd8: {  	[tilespmem:s15+$0x10060] =	vst.add.f32.msk $0xffff, v3  }
0xd9: {  	[tilespmem:s15+$0x13260] =	vst.add.f32.msk $0xffff, v3  }
0xda: {  	[tilespmem:s15+$0x16460] =	vst.add.f32.msk $0xffff, v3  }
0xdb: {  	[tilespmem:s15+$0xCE70] =	vst.add.f32.msk $0xffff, v0  }
0xdc: {  	s11 =	sadd.s32 $0x1, s11;
	s12 =	simm.s32 $0x40;
	s1 =	simm.s32 $0x200;
	[tilespmem:s15+$0x10070] =	vst.add.f32.msk $0xffff, v0  }
.LBB2_5:
0xdd: {  	p0 =	sne.s32 s1, $0xC700;
	v1 =	vld [tilespmem:s12+$0x19670]  }
0xde: {  	v2 =	vld [tilespmem:s12+$0x19640]  }
0xdf: {  	v3 =	vld [tilespmem:s12+$0x19650]  }
0xe0: {  	v4 =	vld [tilespmem:s12+$0x19660]  }
0xe1: {  	[tilespmem:s15+$0x13270] =	vst.add.f32.msk $0xffff, v0;
	s15 =	smov.u32 s12  }
0xe2: {  	[tilespmem:s15+$0x16470] =	vst.add.f32.msk $0xffff, v1;
	v0 =	vmov v1  }
0xe3: {  	[tilespmem:s15+$0xCE40] =	vst.add.f32.msk $0xffff, v2  }
0xe4: {  	[tilespmem:s15+$0x10040] =	vst.add.f32.msk $0xffff, v2  }
0xe5: {  	[tilespmem:s15+$0x13240] =	vst.add.f32.msk $0xffff, v2  }
0xe6: {  	[tilespmem:s15+$0x16440] =	vst.add.f32.msk $0xffff, v2  }
0xe7: {  	[tilespmem:s15+$0xCE50] =	vst.add.f32.msk $0xffff, v3  }
0xe8: {  	[tilespmem:s15+$0x10050] =	vst.add.f32.msk $0xffff, v3  }
0xe9: {  	[tilespmem:s15+$0x13250] =	vst.add.f32.msk $0xffff, v3  }
0xea: {  	[tilespmem:s15+$0x16450] =	vst.add.f32.msk $0xffff, v3  }
0xeb: {  	[tilespmem:s15+$0xCE60] =	vst.add.f32.msk $0xffff, v4  }
.Ltmp1:
0xec: {  	[tilespmem:s15+$0x10060] =	vst.add.f32.msk $0xffff, v4;
	(pc) =	sbr.rel @p0 .LBB2_5-.Ltmp1, $4  }
0xed: {  	[tilespmem:s15+$0x13260] =	vst.add.f32.msk $0xffff, v4  }
0xee: {  	[tilespmem:s15+$0x16460] =	vst.add.f32.msk $0xffff, v4  }
0xef: {  	[tilespmem:s15+$0xCE70] =	vst.add.f32.msk $0xffff, v0  }
0xf0: {  	s12 =	sshra.s32 s1, $0x2;
	s1 =	sadd.s32 $0x100, s1;
	[tilespmem:s15+$0x10070] =	vst.add.f32.msk $0xffff, v0  }
0xf1: {  	v1 =	vld [tilespmem:s12+$0x19670]  }
0xf2: {  	v2 =	vld [tilespmem:s12+$0x19640]  }
0xf3: {  	v3 =	vld [tilespmem:s12+$0x19650]  }
0xf4: {  	v4 =	vld [tilespmem:s12+$0x19660]  }
0xf5: {  	[tilespmem:s15+$0x13270] =	vst.add.f32.msk $0xffff, v0  }
0xf6: {  	[tilespmem:s12+$0x16470] =	vst.add.f32.msk $0xffff, v1  }
0xf7: {  	[tilespmem:s12+$0xCE40] =	vst.add.f32.msk $0xffff, v2  }
0xf8: {  	[tilespmem:s12+$0x10040] =	vst.add.f32.msk $0xffff, v2  }
0xf9: {  	[tilespmem:s12+$0x13240] =	vst.add.f32.msk $0xffff, v2  }
0xfa: {  	[tilespmem:s12+$0x16440] =	vst.add.f32.msk $0xffff, v2  }
0xfb: {  	[tilespmem:s12+$0xCE50] =	vst.add.f32.msk $0xffff, v3  }
0xfc: {  	[tilespmem:s12+$0x10050] =	vst.add.f32.msk $0xffff, v3  }
0xfd: {  	[tilespmem:s12+$0x13250] =	vst.add.f32.msk $0xffff, v3  }
0xfe: {  	[tilespmem:s12+$0x16450] =	vst.add.f32.msk $0xffff, v3  }
0xff: {  	[tilespmem:s12+$0xCE60] =	vst.add.f32.msk $0xffff, v4  }
0x100: {  	[tilespmem:s12+$0x10060] =	vst.add.f32.msk $0xffff, v4  }
0x101: {  	s1 =	sshll.u32 s3, $0x2;
	p0 =	sne.s32 s11, $0x10;
	[tilespmem:s12+$0x13260] =	vst.add.f32.msk $0xffff, v4  }
.Ltmp2:
0x102: {  	s1 =	sadd.s32 s9, s1;
	[tilespmem:s12+$0x16460] =	vst.add.f32.msk $0xffff, v4;
	(pc) =	sbr.rel @p0 .LBB2_2-.Ltmp2, $4  }
0x103: {  	s1 =	smul.u32 $0xC80, s1;
	[tilespmem:s12+$0xCE70] =	vst.add.f32.msk $0xffff, v1  }
0x104: {  	[tilespmem:s12+$0x10070] =	vst.add.f32.msk $0xffff, v1  }
0x105: {  	s1 =	sadd.s32 s7, s1;
	[tilespmem:s12+$0x13270] =	vst.add.f32.msk $0xffff, v1  }
0x106: {  	[hbm4b:s1+s6] =	stream.strided.scatter [tilespmem:s0], [sflag:$0x4], $0xC800, s14, s6, $0x38;
	[tilespmem:$0x1C840] =	vst v63  }
0x107: {  	s1 =	simm.s32 $0x3  }
0x108: {  	_ =	swait.ge [sflag:s1], $0xC800  }
0x109: {  	[sflag:s1] =	ssyncset.done $0x0  }
0x10a: {  	s3 =	simm.s32 $0x4;
	[sflag:s1] =	ssyncadd.s32 $0xFFFF3800  }
0x10b: {  	_ =	swait.ge [sflag:s3], $0xC800  }
0x10c: {  	s11 =	rddreg [dreg:$0x6]  }
0x10d: {  	s17 =	rddreg [dreg:$0x5];
	s11 =	sadd.s32 $0x1, s11  }
0x10e: {  	p0 =	sne.s32 s11, s17  }
.Ltmp3:
0x10f: {  	_ = 	snop;
	(pc) =	sbr.rel @p0 .LBB2_1-.Ltmp3, $3  }
0x110: {  	_ =	sdelay $0x1  }
0x111: {  	[sflag:s3] =	ssyncset.done $0x0  }
0x112: {  	[sflag:s3] =	ssyncadd.s32 $0xFFFF3800  }
0x113: {  	_ =	sfence.sel $0x180000  }
0x114: {  	[bflag:$0x0] =	sbarrier.arrive $0xFFFF  }
0x115: {  	_ =	strace $0x90000047  }
0x116: {  	s0 =	stileid.u32;
	[bflag:$0x2] =	sbarrier.arrive $0xFFFF  }
0x117: {  	p0 =	sne.s32 s0, $0x0;
	s0 =	rddreg [dreg:$0x2]  }
0x118: {  	s0 =	sadd.s32 @!p0 $0x100000, s0  }
0x119: {  	[sflag:s0] =	ssyncadd.tile.s32 @!p0 $0x1;
	_ =	shalt  }
.Lfunc_end2:
_tile_overlayer_lowered:
.L_overlay_start_2:
0x11a: {  	(tag) =	ssettag $0x2  }
0x11b: {  	s0 =	rddreg [dreg:$0x0];
	s2 =	stileid.u32  }
0x11c: {  	s1 =	rddreg [dreg:$0x1];
	p0 =	sne.s32 s2, $0x0  }
0x11d: {  	s3 =	rddreg [dreg:$0x2];
	[bflag:$0x3] =	sbarrier.arrive $0xFFFF;
	s2 =	simm.s32 @!p0 $0x1C05  }
0x11e: {  	[timem:s3], [sflag:s2] =	dma.local @!p0 [hbm:s0], s1  }
0x11f: {  	s0 =	simm.s32 @!p0 $0x5  }
0x120: {  	_ =	swait.ge @!p0 [sflag:s0], s1  }
0x121: {  	s1 =	ssub.s32 @!p0 $0x0, s1;
	[sflag:s0] =	ssyncset.done @!p0 $0x0  }
0x122: {  	[sflag:s0] =	ssyncadd.s32 @!p0 s1  }
0x123: {  	[bflag:$0x3] =	sbarrier.arrive $0xFFFF  }
0x124: {  	_ =	shalt  }

// kernel: sparse-core-data-format-call.cloned.1.call-start
scs
called_computation_lowered:
.L_overlay_start_0:
0x0: {  	s2 =	sld [smem:$0x3FD9]  }
0x1: {  	s3 =	sld [smem:$0x3FFE];
	_ =	sdelay $0x1  }
0x2: {  	s1 =	srdreg.scid  }
0x3: {  	s0 =	sand.u32 $0x1, s1  }
0x4: {  	s18 =	sshll.u32 s0, $0xA;
	s2 =	sadd.s32 s3, s2  }
0x5: {  	s2 =	sadd.s32 s2, s18  }
0x6: {  	[smem:$0x3FC5] =	sst s2  }
0x7: {  	_ = 	snop  }
0x8: {  	s2 =	sld [smem:$0x3FD0];
	(tm) =	ssettm $0x1  }
0x9: {  	s19 =	sld [smem:$0x3FFB];
	_ =	sdelay $0x3  }
0xa: {  	_ =	strace s19  }
0xb: {  	s3 =	sld [smem:$0x3FFC];
	_ =	sdelay $0x3  }
0xc: {  	_ =	strace s3  }
0xd: {  	s3 =	sld [smem:$0x3FFD];
	_ =	sdelay $0x3  }
0xe: {  	_ =	strace s3  }
0xf: {  	_ =	strace $0x8FFFFFFF  }
0x10: {  	s20 =	sld [smem:$0x3FDB];
	_ =	sdelay $0x1  }
0x11: {  	s4 =	simm.s32 $_scs_section_size  }
0x12: {  	s5 =	simm.s32 $_size__tile_overlayer_lowered;
	s6 =	simm.s32 $_tile_overlayer_lowered  }
0x13: {  	s23 =	simm.s32 $0x1BFF;
	s22 =	sshll.u32 s6, $0x1;
	s3 =	sadd.s32 s4, s20  }
0x14: {  	s7 =	simm.s32 $0x0;
	s21 =	sshll.u32 s5, $0x1;
	s5 =	sadd.s32 s22, s3  }
0x15: {  	[timem:s7], [sflag:s23] =	dma.local [hbm:s5], s21  }
0x16: {  	_ =	swait.ge [sflag:s23], s21  }
0x17: {  	s4 =	ssub.s32 $0x0, s21;
	[sflag:s23] =	ssyncset.done $0x0  }
0x18: {  	[sflag:s23] =	ssyncadd.s32 s4;
	_ =	sdelay $0x1  }
0x19: {  	s24 =	simm.s32 $0x1B8B  }
0x1a: {  	_ =	swait.ge [sflag:s24], $0x1  }
0x1b: {  	[sflag:s24] =	ssyncset.done $0x0  }
0x1c: {  	s26 =	simm.s32 $0x1B8E;
	s25 =	sld [smem:$0x3FFE];
	[sflag:s24] =	ssyncadd.s32 $0xFFFFFFFF  }
0x1d: {  	s27 =	simm.s32 $execute0_lowered;
	[smem:$0x3FD2] =	sst s26  }
0x1e: {  	s5 =	sshll.u32 s27, $0x1;
	_ =	strace $0x80000049;
	[dreg:$0x1] =	wrdreg $0xFFFFFFFF  }
0x1f: {  	s28 =	simm.s32 $_size_execute0_lowered;
	s3 =	sadd.s32 s3, s5;
	[dreg:$0x0] =	wrdreg $0x0  }
0x20: {  	s5 =	sshll.u32 s28, $0x1;
	[dreg:$0x2] =	wrdreg s3  }
0x21: {  	[dreg:$0x3] =	wrdreg s5  }
0x22: {  	[dreg:$0x4] =	wrdreg $0xC0  }
0x23: {  	_ =	task [dreg:s7], $0x5FFFF  }
0x24: {  	[dreg:$0x1] =	wrdreg $0xFFFFFFFF  }
0x25: {  	[dreg:$0x0] =	wrdreg $0x60  }
0x26: {  	[dreg:$0x2] =	wrdreg s25  }
0x27: {  	[dreg:$0x3] =	wrdreg s2  }
0x28: {  	[dreg:$0x4] =	wrdreg $0x9  }
0x29: {  	_ =	task.clear_ibuf [dreg:s7], $0x5FFFF;
	_ =	strace $0x90000049  }
0x2a: {  	s29 =	simm.s32 $0x9;
	_ =	strace $0x8000004B  }
0x2b: {  	_ =	swait.ge [sflag:s29], $0x1  }
0x2c: {  	[sflag:s29] =	ssyncadd.s32 $0xFFFFFFFF  }
0x2d: {  	_ =	strace $0x9000004B  }
0x2e: {  	_ =	sfence  }
0x2f: {  	s30 =	sld [smem:$0x0];
	_ =	sdelay $0x2  }
0x30: {  	s31 =	sshll.u32 s1, $0xD;
	s1 =	sshrl.u32 s1, $0x2  }
0x31: {  	s3 =	sand.u32 $0x4000, s31;
	s1 =	sadd.s32 s1, s30  }
0x32: {  	s0 =	sor.u32 s3, s0;
	s1 =	sshll.u32 s1, $0x11  }
0x33: {  	s0 =	sor.u32 s1, s0  }
0x34: {  	s0 =	sadd.s32 $0x8F2B, s0  }
0x35: {  	[sflag:s0] =	ssyncadd.remote.s32 $0x1  }
0x36: {  	_ =	sfence.sel $0xFFFF  }
0x37: {  	[dreg:$0x0] =	wrdreg $0xFFFFFFFF;
	(pc) =	sbr.abs _section_cstart, $3  }
0x38: {  	[dreg:$0x1] =	wrdreg $0xFFFFFFFF  }
0x39: {  	_ =	task.clear_ibuf [dreg:s7], $0x2FFFF;
	_ =	strace $0x9FFFFFFF  }
0x3a: {  	(tm) =	ssettm $0x7FFFFFFF  }
0x3b: {  	_ =	shalt  }
tec
execute0_lowered:
.L_overlay_start_1:
0x0: {  	(tag) =	ssettag $0x1  }
0x1: {  	s0 =	srdreg.scid  }
0x2: {  	s1 =	sshll.u32 s0, $0x4  }
0x3: {  	s0 =	stileid.u32;
	s1 =	sand.u32 $0x10, s1  }
0x4: {  	s1 =	sor.u32 s0, s1  }
0x5: {  	s6 =	rddreg [dreg:$0x0];
	s4 =	simm.s32 $0x1;
	s2 =	sshll.u32 s1, $0x7  }
0x6: {  	s7 =	simm.s32 $0x2;
	s12 =	simm.s32 $0x0;
	s1 =	ssub.s32 $0x1000, s2  }
0x7: {  	s8 =	simm.s32 $0x8000;
	s13 =	simm.s32 $0x0;
	s3 =	sand.u32 $0xF80, s1  }
0x8: {  	s9 =	simm.s32 $0x0;
	s5 =	sshrl.u32 s1, $0xC;
	p0 =	sne.s32 s3, $0x0  }
.Ltmp0:
0x9: {  	s1 =	rddreg [dreg:$0x2];
	s4 =	simm.s32 @!p0 $0x0;
	(pc) =	sbr.rel .LBB1_1-.Ltmp0, $4  }
0xa: {  	s11 =	simm.s32 $0x0;
	s3 =	rddreg [dreg:$0x1];
	s5 =	sadd.s32 s4, s5  }
0xb: {  	_ =	strace $0x8000004A;
	s4 =	simm.s32 $0x1;
	s5 =	smul.u32 $0xC8, s5  }
0xc: {  	s6 =	sadd.s32 $0x1C00, s6;
	s10 =	smov.u32 s2;
	[sflag:s4] =	ssyncpa.u1 $0x0  }
0xd: {  	p0 =	por $0x0, $0x0;
	[sflag:s7] =	ssyncpa.u1 $0x0;
	s7 =	sor.u32 $0x1, s5  }
.LBB1_4:
0xe: {  	s16 =	sshll.u32 s13, $0x3;
	s17 =	sand.u32 $0x78, s13  }
0xf: {  	s30 =	sand.u32 $0x7E00, s13;
	s12 =	sshll.u32 s12, $0xF;
	s16 =	sand.u32 $0xC00, s16  }
0x10: {  	[tilespmem:s15+$0x810 ss:$0x81] =	vst.msk $0xffff, v2;
	s31 =	sand.u32 $0x7, s13;
	s16 =	sor.u32 s17, s16;
	s17 =	sadd.s32 s3, s30  }
0x11: {  	[tilespmem:s15+$0x1020 ss:$0x81] =	vst.msk $0xffff, v0;
	s13 =	sshll.u32 s31, $0x12;
	s12 =	sadd.s32 s12, s17;
	s16 =	sshrl.u32 s16, $0x3  }
0x12: {  	[tilespmem:s15+$0x0 ss:$0x81] =	vst.msk $0xffff, v1;
	s13 =	sor.u32 $0x400, s13;
	s12 =	sadd.s32 s16, s12  }
0x13: {  	[hbm4b:s12+s13] =	stream.strided.scatter [tilespmem:s14], [sflag:$0x2], $0x2000, s8, s13, $0x20;
	[tilespmem:$0x8080] =	vst v63  }
.LBB1_5:
0x14: {  	s14 =	sadd.s32 $0x1, s9  }
0x15: {  	s12 =	sadd.s32 $0x1000, s10;
	s16 =	smov.u32 s10;
	p2 =	sgt.s32 s14, $0xC7  }
0x16: {  	s16 =	smov.u32 @p2 s12  }
0x17: {  	s14 =	simm.s32 @p2 $0x0;
	p2 =	sgt.s32 s16, $0xFFF  }
0x18: {  	s16 =	smov.u32 @p2 s2;
	p2 =	sne.s32 s11, s7  }
.Ltmp1:
0x19: {  	p1 =	slt.u32 s11, $0x2;
	(pc) =	sbr.rel @!p2 .LBB1_6-.Ltmp1, $4  }
0x1a: {  	s15 =	simm.s32 @!p1 $0x2  }
0x1b: {  	s13 =	smov.u32 s10;
	p0 =	por !p0, !p0;
	_ =	swait.ge @!p1 [sflag:s15], $0x2000  }
0x1c: {  	s12 =	smov.u32 s9;
	[sflag:s15] =	ssyncset.done @!p1 $0x0;
	s9 =	smov.u32 s14  }
0x1d: {  	s11 =	sadd.s32 $0x1, s11;
	[sflag:s15] =	ssyncadd.s32 @!p1 $0xFFFFE000;
	s10 =	smov.u32 s16  }
.LBB1_1:
0x1e: {  	p1 =	sge.u32 s11, s5  }
0x1f: {  	s14 =	sand.u32 @!p1 $0x1FFFFFF, s9  }
0x20: {  	s15 =	smulhi.u32 @!p1 $0x147AE15, s14;
	_ =	sdelay $0x1  }
0x21: {  	s15 =	smul.u32 @!p1 $0xC8, s15  }
0x22: {  	s16 =	sxor.u32 @!p1 $0xFFFFFFFF, s11;
	s17 =	smul.u32 @!p1 $0xC80, s10  }
0x23: {  	s31 =	sadd.s32 $0xFFFFFFFF, s11;
	s16 =	sshll.u32 @!p1 s16, $0xD;
	s14 =	ssub.s32 @!p1 s14, s15  }
0x24: {  	s15 =	sand.u32 @!p1 $0x2000, s16;
	s16 =	sadd.s32 @!p1 s6, s17;
	s14 =	sshll.u32 @!p1 s14, $0x4  }
0x25: {  	s17 =	simm.s32 @!p1 $0x6400;
	s14 =	sadd.s32 @!p1 s14, s16;
	s16 =	simm.s32 @!p1 $0x40  }
0x26: {  	[tilespmem:s15], [sflag:$0x1] =	stream.strided.gather @!p1 [hbm4b:s14+s16], $0x2000, s17, s16, $0x38;
	[tilespmem:$0x8080] =	vst v63  }
0x27: {  	p1 =	sge.u32 s31, s5  }
.Ltmp2:
0x28: {  	_ = 	snop;
	(pc) =	sbr.rel @p1 .LBB1_5-.Ltmp2, $1  }
0x29: {  	_ =	sdelay $0x3  }
0x2a: {  	s14 =	simm.s32 $0x1  }
0x2b: {  	_ =	swait.ge [sflag:s4], $0x2000;
	s14 =	simm.s32 @!p0 $0x0  }
0x2c: {  	[sflag:s4] =	ssyncset.done $0x0;
	s15 =	sshll.u32 s14, $0xD  }
0x2d: {  	[sflag:s4] =	ssyncadd.s32 $0xFFFFE000;
	s18 =	sor.u32 $0x20, s15  }
0x2e: {  	s14 =	smul.u32 $0x8100, s14;
	v3 =	vld [tilespmem:s18+$0x10]  }
0x2f: {  	s30 =	sand.u32 $0x1, s11;
	v2 =	vld [tilespmem:s18+$0xFFFFFFF0]  }
0x30: {  	s15 =	smul.u32 $0x8100, s30;
	s14 =	sshrl.u32 s14, $0x2;
	v0 =	vld [tilespmem:s18+$0x0]  }
0x31: {  	v1 =	vld [tilespmem:s18+$0xFFFFFFE0];
	s16 =	sor.u32 $0x4000, s14  }
0x32: {  	s31 =	sshrl.u32 s15, $0x2;
	s15 =	sadd.s32 $0x0, s16  }
0x33: {  	s17 =	simm.s32 $0x4;
	s18 =	sadd.s32 $0x40, s18;
	s14 =	sor.u32 $0x4000, s31;
	[tilespmem:s15+$0x1830 ss:$0x81] =	vst.msk $0xffff, v3  }
.LBB1_3:
0x34: {  	v3 =	vld [tilespmem:s18+$0x10];
	p1 =	sne.s32 s17, $0x1FC;
	[tilespmem:s15+$0x810 ss:$0x81] =	vst.msk $0xffff, v2;
	s19 =	smov.u32 s17;
	s17 =	sadd.s32 $0x4, s17  }
.Ltmp3:
0x35: {  	v2 =	vld [tilespmem:s18+$0xFFFFFFF0];
	[tilespmem:s15+$0x1020 ss:$0x81] =	vst.msk $0xffff, v0;
	(pc) =	sbr.rel @p1 .LBB1_3-.Ltmp3, $4  }
0x36: {  	v0 =	vld [tilespmem:s18+$0x0];
	[tilespmem:s15+$0x0 ss:$0x81] =	vst.msk $0xffff, v1  }
0x37: {  	s15 =	sshra.s32 s19, $0x2;
	v1 =	vld [tilespmem:s18+$0xFFFFFFE0]  }
0x38: {  	s15 =	sadd.s32 s15, s16  }
0x39: {  	s18 =	sadd.s32 $0x40, s18;
	[tilespmem:s15+$0x1830 ss:$0x81] =	vst.msk $0xffff, v3  }
.Ltmp4:
0x3a: {  	_ = 	snop;
	(pc) =	sbr.rel .LBB1_4-.Ltmp4, $1  }
0x3b: {  	_ =	sdelay $0x3  }
.LBB1_6:
0x3c: {  	_ =	sfence.sel $0x180000  }
0x3d: {  	s2 =	simm.s32 $0x1;
	[bflag:$0x0] =	sbarrier.arrive $0xFFFF  }
0x3e: {  	s31 =	simm.s32 $0x2;
	[sflag:s2] =	ssyncpa.u1 $0x1  }
0x3f: {  	[sflag:s31] =	ssyncpa.u1 $0x1  }
0x40: {  	p0 =	sne.s32 s0, $0x0;
	_ =	strace $0x9000004A  }
0x41: {  	s0 =	sadd.s32 @!p0 $0x100000, s1;
	[bflag:$0x2] =	sbarrier.arrive $0xFFFF  }
0x42: {  	[sflag:s0] =	ssyncadd.tile.s32 @!p0 $0x1;
	_ =	shalt  }
.Lfunc_end1:
_tile_overlayer_lowered:
.L_overlay_start_2:
0x43: {  	(tag) =	ssettag $0x2  }
0x44: {  	s0 =	rddreg [dreg:$0x0];
	s2 =	stileid.u32  }
0x45: {  	s1 =	rddreg [dreg:$0x1];
	p0 =	sne.s32 s2, $0x0  }
0x46: {  	s3 =	rddreg [dreg:$0x2];
	[bflag:$0x3] =	sbarrier.arrive $0xFFFF;
	s2 =	simm.s32 @!p0 $0x1C01  }
0x47: {  	[timem:s3], [sflag:s2] =	dma.local @!p0 [hbm:s0], s1  }
0x48: {  	s0 =	simm.s32 @!p0 $0x1  }
0x49: {  	_ =	swait.ge @!p0 [sflag:s0], s1  }
0x4a: {  	s1 =	ssub.s32 @!p0 $0x0, s1;
	[sflag:s0] =	ssyncset.done @!p0 $0x0  }
0x4b: {  	[sflag:s0] =	ssyncadd.s32 @!p0 s1  }
0x4c: {  	[bflag:$0x3] =	sbarrier.arrive $0xFFFF  }
0x4d: {  	_ =	shalt  }

</sc_bundles>
